<compile_context>
chip_gen: v7x
topology: tpu7x:2x2x1
jax: 0.10.2.dev20260603
libtpu: 0.0.44.dev20260713+nightly
codegen_flags: <defaults>
</compile_context>

<pallas_src>
import functools

import jax
import jax.numpy as jnp
from jax import lax
from jax.experimental import pallas as pl
from jax.experimental.pallas import tpu as pltpu
from jax.experimental.pallas import tpu_sc as plsc

EPS = 1e-8

NC = 2
NS = 16
LANES = 16

CHUNK = 96
NBUF = 6
ROW_BLOCK = 1000



def _matmul_body(x_ref, w_ref, b_ref, out_ref):
    x = x_ref[...]
    w = w_ref[...]
    p = lax.dot_general(x, w, (((1,), (1,)), ((), ())),
                        preferred_element_type=jnp.float32)
    p = p + b_ref[0:1, :]
    t = out_ref.shape[0]
    d = out_ref.shape[2]
    for i in range(t):
        out_ref[i] = p[:, i * d:(i + 1) * d]


def _transform(node_states, W, b):
    n, d = node_states.shape
    t = W.shape[0] // d
    bb = jnp.broadcast_to(b.reshape(1, -1), (8, t * d))
    grid = n // ROW_BLOCK
    return pl.pallas_call(
        _matmul_body,
        grid=(grid,),
        in_specs=[
            pl.BlockSpec((ROW_BLOCK, d), lambda i: (i, 0)),
            pl.BlockSpec((t * d, d), lambda i: (0, 0)),
            pl.BlockSpec((8, t * d), lambda i: (0, 0)),
        ],
        out_specs=pl.BlockSpec((t, ROW_BLOCK, d), lambda i: (0, i, 0)),
        out_shape=jax.ShapeDtypeStruct((t, n, d), jnp.float32),
    )(node_states, W, bb)



def _sc_body(n_nodes, n_spad, dh, steps, tiles_per_type,
             table, src, tgt, acc_out, cnt_out,
             src_buf, tgt_buf, rows, ones_v,
             acc_sh, cnt_sh, gsems, ssems):
    c = lax.axis_index("c")
    s = lax.axis_index("s")

    pltpu.sync_copy(src.at[s], src_buf)
    pltpu.sync_copy(tgt.at[s], tgt_buf)

    zero16 = jnp.zeros((LANES,), jnp.float32)
    type_off = jnp.where(s >= tiles_per_type, 2 * n_nodes, 0)
    off = (type_off + c).astype(jnp.int32)
    offv = jnp.full((LANES,), 1, jnp.int32) * off

    def add_off(g, _):
        def inner(l, _):
            sl = pl.ds(l * LANES, LANES)
            v = src_buf[g, sl]
            src_buf[g, sl] = v + v + offv
            return 0
        return lax.fori_loop(0, CHUNK // LANES, inner, 0)
    lax.fori_loop(0, steps, add_off, 0)

    def zrow(i, _):
        def zl(l, _):
            rows[0][i, pl.ds(l * LANES, LANES)] = zero16
            return 0
        return lax.fori_loop(0, dh // LANES, zl, 0)
    lax.fori_loop(0, CHUNK, zrow, 0)

    def zcnt(i, _):
        ones_v[i] = zero16
        return 0
    lax.fori_loop(0, CHUNK, zcnt, 0)

    zrows_per_tile = n_spad // NS
    zbase = s * zrows_per_tile
    full, rem = divmod(zrows_per_tile, CHUNK)
    for r in range(full):
        pltpu.sync_copy(rows[0], acc_sh.at[pl.ds(zbase + r * CHUNK, CHUNK)])
        pltpu.sync_copy(ones_v, cnt_sh.at[pl.ds(zbase + r * CHUNK, CHUNK)])
    if rem:
        pltpu.sync_copy(rows[0].at[pl.ds(0, rem)],
                        acc_sh.at[pl.ds(zbase + full * CHUNK, rem)])
        pltpu.sync_copy(ones_v.at[pl.ds(0, rem)],
                        cnt_sh.at[pl.ds(zbase + full * CHUNK, rem)])

    one16 = jnp.ones((LANES,), jnp.float32)

    def frow(i, _):
        ones_v[i] = one16
        return 0
    lax.fori_loop(0, CHUNK, frow, 0)

    plsc.subcore_barrier()

    def gather(j, b):
        pltpu.async_copy(table.at[src_buf.at[j]], rows[b], gsems[b])

    def gather_wait(j, b):
        pltpu.make_async_copy(table.at[src_buf.at[j]], rows[b],
                              gsems[b]).wait()

    def scatter(j, b, parity):
        pltpu.async_copy(rows[b], acc_sh.at[tgt_buf.at[j]], ssems[b],
                         add=True)

        @pl.when(c == parity)
        def _():
            pltpu.async_copy(ones_v, cnt_sh.at[tgt_buf.at[j]], ssems[b],
                             add=True)

    def scatter_wait(j, b, parity):
        pltpu.make_async_copy(rows[b], acc_sh.at[tgt_buf.at[j]],
                              ssems[b]).wait()

        @pl.when(c == parity)
        def _():
            pltpu.make_async_copy(ones_v, cnt_sh.at[tgt_buf.at[j]],
                                  ssems[b]).wait()

    depth = NBUF - 2
    for j in range(depth):
        gather(j, j)

    def group(v, _):
        jj = NBUF * v
        for b in range(NBUF):
            j = jj + b
            gather_wait(j, b)

            @pl.when(j >= 2)
            def _():
                scatter_wait(j - 2, (b + NBUF - 2) % NBUF, lax.rem(j, 2))

            @pl.when(j + depth < steps)
            def _():
                gather(j + depth, (b + depth) % NBUF)

            scatter(j, b, lax.rem(j, 2))
        return 0

    lax.fori_loop(0, steps // NBUF, group, 0)
    for j in range((steps // NBUF) * NBUF, steps):
        b = j % NBUF
        gather_wait(j, b)
        scatter_wait(j - 2, (b + NBUF - 2) % NBUF, (j - 2) % 2)
        if j + depth < steps:
            gather(j + depth, (b + depth) % NBUF)
        scatter(j, b, j % 2)
    for j in range(steps - 2, steps):
        scatter_wait(j, j % NBUF, j % 2)

    plsc.subcore_barrier()

    rows_per_tile = n_nodes // NS
    base = s * rows_per_tile
    pltpu.sync_copy(acc_sh.at[pl.ds(base, rows_per_tile)],
                    acc_out.at[c, pl.ds(base, rows_per_tile)])
    pltpu.sync_copy(cnt_sh.at[pl.ds(base, rows_per_tile)],
                    cnt_out.at[c, pl.ds(base, rows_per_tile)])


def _sc_scatter(table, src, tgt, n_nodes, n_spad, dh, steps, tiles_per_type):
    mesh = plsc.VectorSubcoreMesh(core_axis_name="c", subcore_axis_name="s",
                                  num_cores=NC, num_subcores=NS)
    fn = pl.kernel(
        functools.partial(_sc_body, n_nodes, n_spad, dh, steps,
                          tiles_per_type),
        out_type=(
            jax.ShapeDtypeStruct((NC, n_nodes, dh), jnp.float32),
            jax.ShapeDtypeStruct((NC, n_nodes, LANES), jnp.float32),
        ),
        mesh=mesh,
        scratch_types=(
            pltpu.VMEM((steps, CHUNK), jnp.int32),
            pltpu.VMEM((steps, CHUNK), jnp.int32),
            tuple(pltpu.VMEM((CHUNK, dh), jnp.float32) for _ in range(NBUF)),
            pltpu.VMEM((CHUNK, LANES), jnp.float32),
            pltpu.VMEM_SHARED((n_spad, dh), jnp.float32),
            pltpu.VMEM_SHARED((n_spad, LANES), jnp.float32),
            tuple(pltpu.SemaphoreType.DMA for _ in range(NBUF)),
            tuple(pltpu.SemaphoreType.DMA for _ in range(NBUF)),
        ),
        compiler_params=pltpu.CompilerParams(use_tc_tiling_on_sc=False),
    )
    return fn(table, src, tgt)



def _combine_body(acc_ref, cnt_ref, out_ref):
    cc = cnt_ref[0, :, 0:1] + cnt_ref[1, :, 0:1]
    div = jnp.where(cc == 0.0, 1.0, cc)
    dh = acc_ref.shape[2]
    for h in range(NC):
        out_ref[:, h * dh:(h + 1) * dh] = acc_ref[h] / div + EPS


def _combine(acc, cnt, n):
    dh = acc.shape[2]
    grid = n // ROW_BLOCK
    return pl.pallas_call(
        _combine_body,
        grid=(grid,),
        in_specs=[
            pl.BlockSpec((NC, ROW_BLOCK, dh), lambda i: (0, i, 0)),
            pl.BlockSpec((NC, ROW_BLOCK, LANES), lambda i: (0, i, 0)),
        ],
        out_specs=pl.BlockSpec((ROW_BLOCK, NC * dh), lambda i: (i, 0)),
        out_shape=jax.ShapeDtypeStruct((n, NC * dh), jnp.float32),
    )(acc, cnt)



@jax.jit
def kernel(edge_lists, node_states, W, b):
    t, m, _ = edge_lists.shape
    n_nodes, dim = node_states.shape
    dh = dim // NC
    edges_per_tile = t * m // NS
    pad = (-edges_per_tile) % CHUNK
    steps = (edges_per_tile + pad) // CHUNK
    tiles_per_type = NS // t

    el = edge_lists.astype(jnp.int32)
    src = jnp.pad(el[..., 0].reshape(NS, edges_per_tile), ((0, 0), (0, pad)))
    trash = n_nodes + jnp.arange(pad, dtype=jnp.int32)
    tgt = jnp.concatenate(
        [el[..., 1].reshape(NS, edges_per_tile),
         jnp.broadcast_to(trash, (NS, pad))], axis=1)
    src = src.reshape(NS, steps, CHUNK)
    tgt = tgt.reshape(NS, steps, CHUNK)

    n_spad = n_nodes + ((pad + NS - 1) // NS) * NS

    table = _transform(node_states, W, b).reshape(NC * t * n_nodes, dh)
    acc, cnt = _sc_scatter(table, src, tgt, n_nodes, n_spad, dh, steps,
                           tiles_per_type)
    return _combine(acc, cnt, n_nodes)

# --- scband reference (transcript-rebuilt; emitter-appended) ---
"""Pipeline reference for scband-ggnnmessage-layer-25194278158854 (READ-ONLY COPY).

The authoritative reference and input builder live on the scoring server;
editing this copy changes nothing except your own understanding.
"""

import jax, jax.numpy as jnp
import numpy as np

SMALL_NUMBER = 1e-08

def setup_inputs(seed: int = 0) -> dict:
    key = jax.random.key(seed)
    k1, k2, k3 = jax.random.split(key, 3)
    n_nodes = 10000
    dim = 128
    edge_type_count = 2
    m_per_type = 160000
    node_states = jax.random.normal(k1, (n_nodes, dim), dtype=jnp.float32)
    edge_lists = jax.random.randint(k2, (edge_type_count, m_per_type, 2), 0, n_nodes, dtype=jnp.int64)
    # LinearNet weight (xavier-uniform style) and zero bias, per init
    fan_in, fan_out = dim, dim * edge_type_count
    limit = float(np.sqrt(6.0 / (fan_in + fan_out)))
    W = jax.random.uniform(k3, (dim * edge_type_count, dim), dtype=jnp.float32, minval=-limit, maxval=limit)
    b = jnp.zeros((dim * edge_type_count,), dtype=jnp.float32)
    return {"edge_lists": edge_lists, "node_states": node_states, "W": W, "b": b}

def reference(edge_lists, node_states, W, b):
    edge_type_count = edge_lists.shape[0]
    n_nodes = node_states.shape[0]
    # transform: F.linear(node_states, W, b), then chunk along feature dim
    propagated = node_states @ W.T + b
    chunks = jnp.split(propagated, edge_type_count, axis=1)
    messages_by_targets = jnp.zeros_like(node_states)
    bincount = jnp.zeros((n_nodes,), dtype=jnp.int32)
    for i in range(edge_type_count):
        edge_sources = edge_lists[i, :, 0]
        edge_targets = edge_lists[i, :, 1]
        messages_by_source = jnp.take(chunks[i], edge_sources, axis=0)
        messages_by_targets = messages_by_targets.at[edge_targets].add(messages_by_source)
        bincount = bincount + jnp.bincount(edge_targets, length=n_nodes)
    divisor = bincount.astype(jnp.float32)
    divisor = jnp.where(bincount == 0, 1.0, divisor)
    messages_by_targets = messages_by_targets / divisor[:, None] + SMALL_NUMBER
    return messages_by_targets

if __name__ == "__main__":
    import jax
    _d = setup_inputs()
    print(jax.jit(kernel)(*tuple(_d.values())))

</pallas_src>

<mosaic_0001>
#map = affine_map<(d0, d1) -> (0, 0)>
#map1 = affine_map<(d0, d1) -> (0, 0, 0)>
module attributes {stable_mosaic.version = 14 : i64} {
  func.func @_sc_body(%arg0: i32, %arg1: i32, %arg2: memref<40000x64xf32, #tpu.memory_space<hbm>>, %arg3: memref<16x209x96xi32, #tpu.memory_space<hbm>>, %arg4: memref<16x209x96xi32, #tpu.memory_space<hbm>>, %arg5: memref<2x10000x64xf32, #tpu.memory_space<hbm>>, %arg6: memref<2x10000x16xf32, #tpu.memory_space<hbm>>, %arg7: memref<209x96xi32, #tpu.memory_space<vmem>>, %arg8: memref<209x96xi32, #tpu.memory_space<vmem>>, %arg9: memref<96x64xf32, #tpu.memory_space<vmem>>, %arg10: memref<96x64xf32, #tpu.memory_space<vmem>>, %arg11: memref<96x64xf32, #tpu.memory_space<vmem>>, %arg12: memref<96x64xf32, #tpu.memory_space<vmem>>, %arg13: memref<96x64xf32, #tpu.memory_space<vmem>>, %arg14: memref<96x64xf32, #tpu.memory_space<vmem>>, %arg15: memref<96x16xf32, #tpu.memory_space<vmem>>, %arg16: memref<10064x64xf32, #tpu.memory_space<vmem_shared>>, %arg17: memref<10064x16xf32, #tpu.memory_space<vmem_shared>>, %arg18: memref<!tpu.dma_semaphore, #tpu.memory_space<semaphore_mem>>, %arg19: memref<!tpu.dma_semaphore, #tpu.memory_space<semaphore_mem>>, %arg20: memref<!tpu.dma_semaphore, #tpu.memory_space<semaphore_mem>>, %arg21: memref<!tpu.dma_semaphore, #tpu.memory_space<semaphore_mem>>, %arg22: memref<!tpu.dma_semaphore, #tpu.memory_space<semaphore_mem>>, %arg23: memref<!tpu.dma_semaphore, #tpu.memory_space<semaphore_mem>>, %arg24: memref<!tpu.dma_semaphore, #tpu.memory_space<semaphore_mem>>, %arg25: memref<!tpu.dma_semaphore, #tpu.memory_space<semaphore_mem>>, %arg26: memref<!tpu.dma_semaphore, #tpu.memory_space<semaphore_mem>>, %arg27: memref<!tpu.dma_semaphore, #tpu.memory_space<semaphore_mem>>, %arg28: memref<!tpu.dma_semaphore, #tpu.memory_space<semaphore_mem>>, %arg29: memref<!tpu.dma_semaphore, #tpu.memory_space<semaphore_mem>>) attributes {dimension_semantics = [#tpu.dimension_semantics<core_parallel>, #tpu.dimension_semantics<subcore_parallel>], iteration_bounds = array<i64: 2, 16>, scalar_prefetch = 0 : i64, scratch_operands = 23 : i64, tpu.core_type = #tpu.core_type<sc_vector_subcore>, window_params = [{transform_indices = #map}, {transform_indices = #map1}, {transform_indices = #map1}, {transform_indices = #map1}, {transform_indices = #map1}]} {
    "tpu.region"() ({
      %run_scoped3A = tpu.sem_alloc : memref<!tpu.dma_semaphore, #tpu.memory_space<semaphore_mem>>
      %dma_start3A_284 = arith.constant 0 : i32
      %dma_start3A_285 = arith.constant 0 : i32
      %dma_start3A_286 = tpu.memref_slice %arg3[%arg1, %dma_start3A_284, %dma_start3A_285] : memref<16x209x96xi32, #tpu.memory_space<hbm>> -> memref<1x209x96xi32, #tpu.memory_space<hbm>>
      %dma_start3A_287 = tpu.memref_squeeze %dma_start3A_286 : memref<1x209x96xi32, #tpu.memory_space<hbm>> -> memref<209x96xi32, #tpu.memory_space<hbm>>
      %dma_start3A_288 = arith.constant 0 : i32
      %dma_start3A_289 = arith.constant 0 : i32
      %dma_start3A_290 = tpu.memref_slice %arg3[%arg1, %dma_start3A_288, %dma_start3A_289] : memref<16x209x96xi32, #tpu.memory_space<hbm>> -> memref<1x209x96xi32, #tpu.memory_space<hbm>>
      %dma_start3A_291 = tpu.memref_squeeze %dma_start3A_290 : memref<1x209x96xi32, #tpu.memory_space<hbm>> -> memref<209x96xi32, #tpu.memory_space<hbm>>
      tpu.enqueue_dma source(%dma_start3A_291 : memref<209x96xi32, #tpu.memory_space<hbm>>) target(%arg7 : memref<209x96xi32, #tpu.memory_space<vmem>>) target_semaphore(%run_scoped3A : memref<!tpu.dma_semaphore, #tpu.memory_space<semaphore_mem>>)
      %dma_wait3A_292 = arith.constant 0 : i32
      %dma_wait3A_293 = arith.constant 0 : i32
      %dma_wait3A_294 = tpu.memref_slice %arg3[%arg1, %dma_wait3A_292, %dma_wait3A_293] : memref<16x209x96xi32, #tpu.memory_space<hbm>> -> memref<1x209x96xi32, #tpu.memory_space<hbm>>
      %dma_wait3A_295 = tpu.memref_squeeze %dma_wait3A_294 : memref<1x209x96xi32, #tpu.memory_space<hbm>> -> memref<209x96xi32, #tpu.memory_space<hbm>>
      %dma_wait3A_296 = arith.constant 0 : i32
      %dma_wait3A_297 = arith.constant 0 : i32
      %dma_wait3A_298 = tpu.memref_slice %arg3[%arg1, %dma_wait3A_296, %dma_wait3A_297] : memref<16x209x96xi32, #tpu.memory_space<hbm>> -> memref<1x209x96xi32, #tpu.memory_space<hbm>>
      %dma_wait3A_299 = tpu.memref_squeeze %dma_wait3A_298 : memref<1x209x96xi32, #tpu.memory_space<hbm>> -> memref<209x96xi32, #tpu.memory_space<hbm>>
      tpu.wait_dma2 semaphore(%run_scoped3A : memref<!tpu.dma_semaphore, #tpu.memory_space<semaphore_mem>>) src(%dma_wait3A_299 : memref<209x96xi32, #tpu.memory_space<hbm>>) dst(%arg7 : memref<209x96xi32, #tpu.memory_space<vmem>>)
      tpu.yield
    }) : () -> ()
    "tpu.region"() ({
      %run_scoped3A = tpu.sem_alloc : memref<!tpu.dma_semaphore, #tpu.memory_space<semaphore_mem>>
      %dma_start3A_284 = arith.constant 0 : i32
      %dma_start3A_285 = arith.constant 0 : i32
      %dma_start3A_286 = tpu.memref_slice %arg4[%arg1, %dma_start3A_284, %dma_start3A_285] : memref<16x209x96xi32, #tpu.memory_space<hbm>> -> memref<1x209x96xi32, #tpu.memory_space<hbm>>
      %dma_start3A_287 = tpu.memref_squeeze %dma_start3A_286 : memref<1x209x96xi32, #tpu.memory_space<hbm>> -> memref<209x96xi32, #tpu.memory_space<hbm>>
      %dma_start3A_288 = arith.constant 0 : i32
      %dma_start3A_289 = arith.constant 0 : i32
      %dma_start3A_290 = tpu.memref_slice %arg4[%arg1, %dma_start3A_288, %dma_start3A_289] : memref<16x209x96xi32, #tpu.memory_space<hbm>> -> memref<1x209x96xi32, #tpu.memory_space<hbm>>
      %dma_start3A_291 = tpu.memref_squeeze %dma_start3A_290 : memref<1x209x96xi32, #tpu.memory_space<hbm>> -> memref<209x96xi32, #tpu.memory_space<hbm>>
      tpu.enqueue_dma source(%dma_start3A_291 : memref<209x96xi32, #tpu.memory_space<hbm>>) target(%arg8 : memref<209x96xi32, #tpu.memory_space<vmem>>) target_semaphore(%run_scoped3A : memref<!tpu.dma_semaphore, #tpu.memory_space<semaphore_mem>>)
      %dma_wait3A_292 = arith.constant 0 : i32
      %dma_wait3A_293 = arith.constant 0 : i32
      %dma_wait3A_294 = tpu.memref_slice %arg4[%arg1, %dma_wait3A_292, %dma_wait3A_293] : memref<16x209x96xi32, #tpu.memory_space<hbm>> -> memref<1x209x96xi32, #tpu.memory_space<hbm>>
      %dma_wait3A_295 = tpu.memref_squeeze %dma_wait3A_294 : memref<1x209x96xi32, #tpu.memory_space<hbm>> -> memref<209x96xi32, #tpu.memory_space<hbm>>
      %dma_wait3A_296 = arith.constant 0 : i32
      %dma_wait3A_297 = arith.constant 0 : i32
      %dma_wait3A_298 = tpu.memref_slice %arg4[%arg1, %dma_wait3A_296, %dma_wait3A_297] : memref<16x209x96xi32, #tpu.memory_space<hbm>> -> memref<1x209x96xi32, #tpu.memory_space<hbm>>
      %dma_wait3A_299 = tpu.memref_squeeze %dma_wait3A_298 : memref<1x209x96xi32, #tpu.memory_space<hbm>> -> memref<209x96xi32, #tpu.memory_space<hbm>>
      tpu.wait_dma2 semaphore(%run_scoped3A : memref<!tpu.dma_semaphore, #tpu.memory_space<semaphore_mem>>) src(%dma_wait3A_299 : memref<209x96xi32, #tpu.memory_space<hbm>>) dst(%arg8 : memref<209x96xi32, #tpu.memory_space<vmem>>)
      tpu.yield
    }) : () -> ()
    %broadcast_in_dim3A = arith.constant 0.000000e+00 : f32
    %broadcast_in_dim3A_0 = vector.broadcast %broadcast_in_dim3A : f32 to vector<16xf32>
    %ge3A = arith.constant 8 : i32
    %ge3A_1 = arith.cmpi sge, %arg1, %ge3A : i32
    %jit3A = arith.constant 20000 : i32
    %jit3A_2 = arith.constant 0 : i32
    %select_n3A = arith.select %ge3A_1, %jit3A, %jit3A_2 : i32
    %add3A = arith.addi %select_n3A, %arg0 : i32
    %broadcast_in_dim3A_3 = arith.constant 1 : i32
    %broadcast_in_dim3A_4 = vector.broadcast %broadcast_in_dim3A_3 : i32 to vector<16xi32>
    %mul3A = vector.broadcast %add3A : i32 to vector<16xi32>
    %mul3A_5 = arith.muli %broadcast_in_dim3A_4, %mul3A : vector<16xi32>
    %scan3A = arith.constant 0 : i32
    %scan3A_6 = arith.constant 0 : i32
    %scan3A_7 = arith.constant 209 : i32
    %scan3A_8 = arith.addi %scan3A_6, %scan3A_7 : i32
    %scan3A_9 = arith.constant 1 : i32
    %scan3A_10 = scf.for %scan3A_284 = %scan3A_6 to %scan3A_8 step %scan3A_9 iter_args(%scan3A_285 = %scan3A) -> (i32)  : i32 {
      %scan3A_286 = arith.constant 0 : i32
      %scan3A_287 = arith.constant 0 : i32
      %scan3A_288 = arith.constant 6 : i32
      %scan3A_289 = arith.addi %scan3A_287, %scan3A_288 : i32
      %scan3A_290 = arith.constant 1 : i32
      %scan3A_291 = scf.for %scan3A_293 = %scan3A_287 to %scan3A_289 step %scan3A_290 iter_args(%scan3A_294 = %scan3A_286) -> (i32)  : i32 {
        %mul3A_295 = arith.constant 16 : i32
        %mul3A_296 = arith.muli %scan3A_293, %mul3A_295 : i32
        %get3A = arith.index_cast %scan3A_284 : i32 to index
        %get3A_297 = arith.index_cast %mul3A_296 : i32 to index
        %get3A_298 = tpu.vector_load %arg7[%get3A, %get3A_297] {strides = array<i32>} : memref<209x96xi32, #tpu.memory_space<vmem>>, vector<1x16xi32>,
        %get3A_299 = vector.shape_cast %get3A_298 : vector<1x16xi32> to vector<16xi32>
        %add3A_300 = arith.addi %get3A_299, %get3A_299 : vector<16xi32>
        %add3A_301 = arith.addi %add3A_300, %mul3A_5 : vector<16xi32>
        %swap3A = arith.index_cast %scan3A_284 : i32 to index
        %swap3A_302 = arith.index_cast %mul3A_296 : i32 to index
        %swap3A_303 = tpu.vector_load %arg7[%swap3A, %swap3A_302] {strides = array<i32>} : memref<209x96xi32, #tpu.memory_space<vmem>>, vector<1x16xi32>,
        %swap3A_304 = vector.shape_cast %swap3A_303 : vector<1x16xi32> to vector<16xi32>
        %swap3A_305 = vector.shape_cast %add3A_301 : vector<16xi32> to vector<1x16xi32>
        tpu.vector_store %arg7[%swap3A, %swap3A_302], %swap3A_305 {strides = array<i32>} : memref<209x96xi32, #tpu.memory_space<vmem>>, vector<1x16xi32>,
        %scan3A_306 = arith.constant 0 : i32
        scf.yield %scan3A_306 : i32
      }
      %scan3A_292 = arith.constant 6 : i32
      scf.yield %scan3A_291 : i32
    }
    %scan3A_11 = arith.constant 209 : i32
    %scan3A_12 = arith.constant 0 : i32
    %scan3A_13 = arith.constant 0 : i32
    %scan3A_14 = arith.constant 96 : i32
    %scan3A_15 = arith.addi %scan3A_13, %scan3A_14 : i32
    %scan3A_16 = arith.constant 1 : i32
    %scan3A_17 = scf.for %scan3A_284 = %scan3A_13 to %scan3A_15 step %scan3A_16 iter_args(%scan3A_285 = %scan3A_12) -> (i32)  : i32 {
      %scan3A_286 = arith.constant 0 : i32
      %scan3A_287 = arith.constant 0 : i32
      %scan3A_288 = arith.constant 4 : i32
      %scan3A_289 = arith.addi %scan3A_287, %scan3A_288 : i32
      %scan3A_290 = arith.constant 1 : i32
      %scan3A_291 = scf.for %scan3A_293 = %scan3A_287 to %scan3A_289 step %scan3A_290 iter_args(%scan3A_294 = %scan3A_286) -> (i32)  : i32 {
        %mul3A_295 = arith.constant 16 : i32
        %mul3A_296 = arith.muli %scan3A_293, %mul3A_295 : i32
        %swap3A = arith.index_cast %scan3A_284 : i32 to index
        %swap3A_297 = arith.index_cast %mul3A_296 : i32 to index
        %swap3A_298 = tpu.vector_load %arg9[%swap3A, %swap3A_297] {strides = array<i32>} : memref<96x64xf32, #tpu.memory_space<vmem>>, vector<1x16xf32>,
        %swap3A_299 = vector.shape_cast %swap3A_298 : vector<1x16xf32> to vector<16xf32>
        %swap3A_300 = vector.shape_cast %broadcast_in_dim3A_0 : vector<16xf32> to vector<1x16xf32>
        tpu.vector_store %arg9[%swap3A, %swap3A_297], %swap3A_300 {strides = array<i32>} : memref<96x64xf32, #tpu.memory_space<vmem>>, vector<1x16xf32>,
        %scan3A_301 = arith.constant 0 : i32
        scf.yield %scan3A_301 : i32
      }
      %scan3A_292 = arith.constant 4 : i32
      scf.yield %scan3A_291 : i32
    }
    %scan3A_18 = arith.constant 96 : i32
    %scan3A_19 = arith.constant 0 : i32
    %scan3A_20 = arith.constant 0 : i32
    %scan3A_21 = arith.constant 96 : i32
    %scan3A_22 = arith.addi %scan3A_20, %scan3A_21 : i32
    %scan3A_23 = arith.constant 1 : i32
    %scan3A_24 = scf.for %scan3A_284 = %scan3A_20 to %scan3A_22 step %scan3A_23 iter_args(%scan3A_285 = %scan3A_19) -> (i32)  : i32 {
      %swap3A = arith.index_cast %scan3A_284 : i32 to index
      %swap3A_286 = arith.constant 0 : index
      %swap3A_287 = tpu.vector_load %arg15[%swap3A, %swap3A_286] {strides = array<i32>} : memref<96x16xf32, #tpu.memory_space<vmem>>, vector<1x16xf32>,
      %swap3A_288 = vector.shape_cast %swap3A_287 : vector<1x16xf32> to vector<16xf32>
      %swap3A_289 = vector.shape_cast %broadcast_in_dim3A_0 : vector<16xf32> to vector<1x16xf32>
      tpu.vector_store %arg15[%swap3A, %swap3A_286], %swap3A_289 {strides = array<i32>} : memref<96x16xf32, #tpu.memory_space<vmem>>, vector<1x16xf32>,
      %scan3A_290 = arith.constant 0 : i32
      scf.yield %scan3A_290 : i32
    }
    %scan3A_25 = arith.constant 96 : i32
    %mul3A_26 = arith.constant 629 : i32
    %mul3A_27 = arith.muli %arg1, %mul3A_26 : i32
    %add3A_28 = arith.constant 0 : i32
    %add3A_29 = arith.addi %mul3A_27, %add3A_28 : i32
    "tpu.region"() ({
      %run_scoped3A = tpu.sem_alloc : memref<!tpu.dma_semaphore, #tpu.memory_space<semaphore_mem>>
      %dma_start3A_284 = arith.constant 0 : i32
      %dma_start3A_285 = tpu.memref_slice %arg16[%add3A_29, %dma_start3A_284] : memref<10064x64xf32, #tpu.memory_space<vmem_shared>> -> memref<96x64xf32, #tpu.memory_space<vmem_shared>>
      %dma_start3A_286 = arith.constant 0 : i32
      %dma_start3A_287 = tpu.memref_slice %arg16[%add3A_29, %dma_start3A_286] : memref<10064x64xf32, #tpu.memory_space<vmem_shared>> -> memref<96x64xf32, #tpu.memory_space<vmem_shared>>
      tpu.enqueue_dma source(%arg9 : memref<96x64xf32, #tpu.memory_space<vmem>>) target(%dma_start3A_287 : memref<96x64xf32, #tpu.memory_space<vmem_shared>>) target_semaphore(%run_scoped3A : memref<!tpu.dma_semaphore, #tpu.memory_space<semaphore_mem>>)
      %dma_wait3A_288 = arith.constant 0 : i32
      %dma_wait3A_289 = tpu.memref_slice %arg16[%add3A_29, %dma_wait3A_288] : memref<10064x64xf32, #tpu.memory_space<vmem_shared>> -> memref<96x64xf32, #tpu.memory_space<vmem_shared>>
      %dma_wait3A_290 = arith.constant 0 : i32
      %dma_wait3A_291 = tpu.memref_slice %arg16[%add3A_29, %dma_wait3A_290] : memref<10064x64xf32, #tpu.memory_space<vmem_shared>> -> memref<96x64xf32, #tpu.memory_space<vmem_shared>>
      tpu.wait_dma2 semaphore(%run_scoped3A : memref<!tpu.dma_semaphore, #tpu.memory_space<semaphore_mem>>) src(%arg9 : memref<96x64xf32, #tpu.memory_space<vmem>>) dst(%dma_wait3A_291 : memref<96x64xf32, #tpu.memory_space<vmem_shared>>)
      tpu.yield
    }) : () -> ()
    %add3A_30 = arith.constant 0 : i32
    %add3A_31 = arith.addi %mul3A_27, %add3A_30 : i32
    "tpu.region"() ({
      %run_scoped3A = tpu.sem_alloc : memref<!tpu.dma_semaphore, #tpu.memory_space<semaphore_mem>>
      %dma_start3A_284 = arith.constant 0 : i32
      %dma_start3A_285 = tpu.memref_slice %arg17[%add3A_31, %dma_start3A_284] : memref<10064x16xf32, #tpu.memory_space<vmem_shared>> -> memref<96x16xf32, #tpu.memory_space<vmem_shared>>
      %dma_start3A_286 = arith.constant 0 : i32
      %dma_start3A_287 = tpu.memref_slice %arg17[%add3A_31, %dma_start3A_286] : memref<10064x16xf32, #tpu.memory_space<vmem_shared>> -> memref<96x16xf32, #tpu.memory_space<vmem_shared>>
      tpu.enqueue_dma source(%arg15 : memref<96x16xf32, #tpu.memory_space<vmem>>) target(%dma_start3A_287 : memref<96x16xf32, #tpu.memory_space<vmem_shared>>) target_semaphore(%run_scoped3A : memref<!tpu.dma_semaphore, #tpu.memory_space<semaphore_mem>>)
      %dma_wait3A_288 = arith.constant 0 : i32
      %dma_wait3A_289 = tpu.memref_slice %arg17[%add3A_31, %dma_wait3A_288] : memref<10064x16xf32, #tpu.memory_space<vmem_shared>> -> memref<96x16xf32, #tpu.memory_space<vmem_shared>>
      %dma_wait3A_290 = arith.constant 0 : i32
      %dma_wait3A_291 = tpu.memref_slice %arg17[%add3A_31, %dma_wait3A_290] : memref<10064x16xf32, #tpu.memory_space<vmem_shared>> -> memref<96x16xf32, #tpu.memory_space<vmem_shared>>
      tpu.wait_dma2 semaphore(%run_scoped3A : memref<!tpu.dma_semaphore, #tpu.memory_space<semaphore_mem>>) src(%arg15 : memref<96x16xf32, #tpu.memory_space<vmem>>) dst(%dma_wait3A_291 : memref<96x16xf32, #tpu.memory_space<vmem_shared>>)
      tpu.yield
    }) : () -> ()
    %add3A_32 = arith.constant 96 : i32
    %add3A_33 = arith.addi %mul3A_27, %add3A_32 : i32
    "tpu.region"() ({
      %run_scoped3A = tpu.sem_alloc : memref<!tpu.dma_semaphore, #tpu.memory_space<semaphore_mem>>
      %dma_start3A_284 = arith.constant 0 : i32
      %dma_start3A_285 = tpu.memref_slice %arg16[%add3A_33, %dma_start3A_284] : memref<10064x64xf32, #tpu.memory_space<vmem_shared>> -> memref<96x64xf32, #tpu.memory_space<vmem_shared>>
      %dma_start3A_286 = arith.constant 0 : i32
      %dma_start3A_287 = tpu.memref_slice %arg16[%add3A_33, %dma_start3A_286] : memref<10064x64xf32, #tpu.memory_space<vmem_shared>> -> memref<96x64xf32, #tpu.memory_space<vmem_shared>>
      tpu.enqueue_dma source(%arg9 : memref<96x64xf32, #tpu.memory_space<vmem>>) target(%dma_start3A_287 : memref<96x64xf32, #tpu.memory_space<vmem_shared>>) target_semaphore(%run_scoped3A : memref<!tpu.dma_semaphore, #tpu.memory_space<semaphore_mem>>)
      %dma_wait3A_288 = arith.constant 0 : i32
      %dma_wait3A_289 = tpu.memref_slice %arg16[%add3A_33, %dma_wait3A_288] : memref<10064x64xf32, #tpu.memory_space<vmem_shared>> -> memref<96x64xf32, #tpu.memory_space<vmem_shared>>
      %dma_wait3A_290 = arith.constant 0 : i32
      %dma_wait3A_291 = tpu.memref_slice %arg16[%add3A_33, %dma_wait3A_290] : memref<10064x64xf32, #tpu.memory_space<vmem_shared>> -> memref<96x64xf32, #tpu.memory_space<vmem_shared>>
      tpu.wait_dma2 semaphore(%run_scoped3A : memref<!tpu.dma_semaphore, #tpu.memory_space<semaphore_mem>>) src(%arg9 : memref<96x64xf32, #tpu.memory_space<vmem>>) dst(%dma_wait3A_291 : memref<96x64xf32, #tpu.memory_space<vmem_shared>>)
      tpu.yield
    }) : () -> ()
    %add3A_34 = arith.constant 96 : i32
    %add3A_35 = arith.addi %mul3A_27, %add3A_34 : i32
    "tpu.region"() ({
      %run_scoped3A = tpu.sem_alloc : memref<!tpu.dma_semaphore, #tpu.memory_space<semaphore_mem>>
      %dma_start3A_284 = arith.constant 0 : i32
      %dma_start3A_285 = tpu.memref_slice %arg17[%add3A_35, %dma_start3A_284] : memref<10064x16xf32, #tpu.memory_space<vmem_shared>> -> memref<96x16xf32, #tpu.memory_space<vmem_shared>>
      %dma_start3A_286 = arith.constant 0 : i32
      %dma_start3A_287 = tpu.memref_slice %arg17[%add3A_35, %dma_start3A_286] : memref<10064x16xf32, #tpu.memory_space<vmem_shared>> -> memref<96x16xf32, #tpu.memory_space<vmem_shared>>
      tpu.enqueue_dma source(%arg15 : memref<96x16xf32, #tpu.memory_space<vmem>>) target(%dma_start3A_287 : memref<96x16xf32, #tpu.memory_space<vmem_shared>>) target_semaphore(%run_scoped3A : memref<!tpu.dma_semaphore, #tpu.memory_space<semaphore_mem>>)
      %dma_wait3A_288 = arith.constant 0 : i32
      %dma_wait3A_289 = tpu.memref_slice %arg17[%add3A_35, %dma_wait3A_288] : memref<10064x16xf32, #tpu.memory_space<vmem_shared>> -> memref<96x16xf32, #tpu.memory_space<vmem_shared>>
      %dma_wait3A_290 = arith.constant 0 : i32
      %dma_wait3A_291 = tpu.memref_slice %arg17[%add3A_35, %dma_wait3A_290] : memref<10064x16xf32, #tpu.memory_space<vmem_shared>> -> memref<96x16xf32, #tpu.memory_space<vmem_shared>>
      tpu.wait_dma2 semaphore(%run_scoped3A : memref<!tpu.dma_semaphore, #tpu.memory_space<semaphore_mem>>) src(%arg15 : memref<96x16xf32, #tpu.memory_space<vmem>>) dst(%dma_wait3A_291 : memref<96x16xf32, #tpu.memory_space<vmem_shared>>)
      tpu.yield
    }) : () -> ()
    %add3A_36 = arith.constant 192 : i32
    %add3A_37 = arith.addi %mul3A_27, %add3A_36 : i32
    "tpu.region"() ({
      %run_scoped3A = tpu.sem_alloc : memref<!tpu.dma_semaphore, #tpu.memory_space<semaphore_mem>>
      %dma_start3A_284 = arith.constant 0 : i32
      %dma_start3A_285 = tpu.memref_slice %arg16[%add3A_37, %dma_start3A_284] : memref<10064x64xf32, #tpu.memory_space<vmem_shared>> -> memref<96x64xf32, #tpu.memory_space<vmem_shared>>
      %dma_start3A_286 = arith.constant 0 : i32
      %dma_start3A_287 = tpu.memref_slice %arg16[%add3A_37, %dma_start3A_286] : memref<10064x64xf32, #tpu.memory_space<vmem_shared>> -> memref<96x64xf32, #tpu.memory_space<vmem_shared>>
      tpu.enqueue_dma source(%arg9 : memref<96x64xf32, #tpu.memory_space<vmem>>) target(%dma_start3A_287 : memref<96x64xf32, #tpu.memory_space<vmem_shared>>) target_semaphore(%run_scoped3A : memref<!tpu.dma_semaphore, #tpu.memory_space<semaphore_mem>>)
      %dma_wait3A_288 = arith.constant 0 : i32
      %dma_wait3A_289 = tpu.memref_slice %arg16[%add3A_37, %dma_wait3A_288] : memref<10064x64xf32, #tpu.memory_space<vmem_shared>> -> memref<96x64xf32, #tpu.memory_space<vmem_shared>>
      %dma_wait3A_290 = arith.constant 0 : i32
      %dma_wait3A_291 = tpu.memref_slice %arg16[%add3A_37, %dma_wait3A_290] : memref<10064x64xf32, #tpu.memory_space<vmem_shared>> -> memref<96x64xf32, #tpu.memory_space<vmem_shared>>
      tpu.wait_dma2 semaphore(%run_scoped3A : memref<!tpu.dma_semaphore, #tpu.memory_space<semaphore_mem>>) src(%arg9 : memref<96x64xf32, #tpu.memory_space<vmem>>) dst(%dma_wait3A_291 : memref<96x64xf32, #tpu.memory_space<vmem_shared>>)
      tpu.yield
    }) : () -> ()
    %add3A_38 = arith.constant 192 : i32
    %add3A_39 = arith.addi %mul3A_27, %add3A_38 : i32
    "tpu.region"() ({
      %run_scoped3A = tpu.sem_alloc : memref<!tpu.dma_semaphore, #tpu.memory_space<semaphore_mem>>
      %dma_start3A_284 = arith.constant 0 : i32
      %dma_start3A_285 = tpu.memref_slice %arg17[%add3A_39, %dma_start3A_284] : memref<10064x16xf32, #tpu.memory_space<vmem_shared>> -> memref<96x16xf32, #tpu.memory_space<vmem_shared>>
      %dma_start3A_286 = arith.constant 0 : i32
      %dma_start3A_287 = tpu.memref_slice %arg17[%add3A_39, %dma_start3A_286] : memref<10064x16xf32, #tpu.memory_space<vmem_shared>> -> memref<96x16xf32, #tpu.memory_space<vmem_shared>>
      tpu.enqueue_dma source(%arg15 : memref<96x16xf32, #tpu.memory_space<vmem>>) target(%dma_start3A_287 : memref<96x16xf32, #tpu.memory_space<vmem_shared>>) target_semaphore(%run_scoped3A : memref<!tpu.dma_semaphore, #tpu.memory_space<semaphore_mem>>)
      %dma_wait3A_288 = arith.constant 0 : i32
      %dma_wait3A_289 = tpu.memref_slice %arg17[%add3A_39, %dma_wait3A_288] : memref<10064x16xf32, #tpu.memory_space<vmem_shared>> -> memref<96x16xf32, #tpu.memory_space<vmem_shared>>
      %dma_wait3A_290 = arith.constant 0 : i32
      %dma_wait3A_291 = tpu.memref_slice %arg17[%add3A_39, %dma_wait3A_290] : memref<10064x16xf32, #tpu.memory_space<vmem_shared>> -> memref<96x16xf32, #tpu.memory_space<vmem_shared>>
      tpu.wait_dma2 semaphore(%run_scoped3A : memref<!tpu.dma_semaphore, #tpu.memory_space<semaphore_mem>>) src(%arg15 : memref<96x16xf32, #tpu.memory_space<vmem>>) dst(%dma_wait3A_291 : memref<96x16xf32, #tpu.memory_space<vmem_shared>>)
      tpu.yield
    }) : () -> ()
    %add3A_40 = arith.constant 288 : i32
    %add3A_41 = arith.addi %mul3A_27, %add3A_40 : i32
    "tpu.region"() ({
      %run_scoped3A = tpu.sem_alloc : memref<!tpu.dma_semaphore, #tpu.memory_space<semaphore_mem>>
      %dma_start3A_284 = arith.constant 0 : i32
      %dma_start3A_285 = tpu.memref_slice %arg16[%add3A_41, %dma_start3A_284] : memref<10064x64xf32, #tpu.memory_space<vmem_shared>> -> memref<96x64xf32, #tpu.memory_space<vmem_shared>>
      %dma_start3A_286 = arith.constant 0 : i32
      %dma_start3A_287 = tpu.memref_slice %arg16[%add3A_41, %dma_start3A_286] : memref<10064x64xf32, #tpu.memory_space<vmem_shared>> -> memref<96x64xf32, #tpu.memory_space<vmem_shared>>
      tpu.enqueue_dma source(%arg9 : memref<96x64xf32, #tpu.memory_space<vmem>>) target(%dma_start3A_287 : memref<96x64xf32, #tpu.memory_space<vmem_shared>>) target_semaphore(%run_scoped3A : memref<!tpu.dma_semaphore, #tpu.memory_space<semaphore_mem>>)
      %dma_wait3A_288 = arith.constant 0 : i32
      %dma_wait3A_289 = tpu.memref_slice %arg16[%add3A_41, %dma_wait3A_288] : memref<10064x64xf32, #tpu.memory_space<vmem_shared>> -> memref<96x64xf32, #tpu.memory_space<vmem_shared>>
      %dma_wait3A_290 = arith.constant 0 : i32
      %dma_wait3A_291 = tpu.memref_slice %arg16[%add3A_41, %dma_wait3A_290] : memref<10064x64xf32, #tpu.memory_space<vmem_shared>> -> memref<96x64xf32, #tpu.memory_space<vmem_shared>>
      tpu.wait_dma2 semaphore(%run_scoped3A : memref<!tpu.dma_semaphore, #tpu.memory_space<semaphore_mem>>) src(%arg9 : memref<96x64xf32, #tpu.memory_space<vmem>>) dst(%dma_wait3A_291 : memref<96x64xf32, #tpu.memory_space<vmem_shared>>)
      tpu.yield
    }) : () -> ()
    %add3A_42 = arith.constant 288 : i32
    %add3A_43 = arith.addi %mul3A_27, %add3A_42 : i32
    "tpu.region"() ({
      %run_scoped3A = tpu.sem_alloc : memref<!tpu.dma_semaphore, #tpu.memory_space<semaphore_mem>>
      %dma_start3A_284 = arith.constant 0 : i32
      %dma_start3A_285 = tpu.memref_slice %arg17[%add3A_43, %dma_start3A_284] : memref<10064x16xf32, #tpu.memory_space<vmem_shared>> -> memref<96x16xf32, #tpu.memory_space<vmem_shared>>
      %dma_start3A_286 = arith.constant 0 : i32
      %dma_start3A_287 = tpu.memref_slice %arg17[%add3A_43, %dma_start3A_286] : memref<10064x16xf32, #tpu.memory_space<vmem_shared>> -> memref<96x16xf32, #tpu.memory_space<vmem_shared>>
      tpu.enqueue_dma source(%arg15 : memref<96x16xf32, #tpu.memory_space<vmem>>) target(%dma_start3A_287 : memref<96x16xf32, #tpu.memory_space<vmem_shared>>) target_semaphore(%run_scoped3A : memref<!tpu.dma_semaphore, #tpu.memory_space<semaphore_mem>>)
      %dma_wait3A_288 = arith.constant 0 : i32
      %dma_wait3A_289 = tpu.memref_slice %arg17[%add3A_43, %dma_wait3A_288] : memref<10064x16xf32, #tpu.memory_space<vmem_shared>> -> memref<96x16xf32, #tpu.memory_space<vmem_shared>>
      %dma_wait3A_290 = arith.constant 0 : i32
      %dma_wait3A_291 = tpu.memref_slice %arg17[%add3A_43, %dma_wait3A_290] : memref<10064x16xf32, #tpu.memory_space<vmem_shared>> -> memref<96x16xf32, #tpu.memory_space<vmem_shared>>
      tpu.wait_dma2 semaphore(%run_scoped3A : memref<!tpu.dma_semaphore, #tpu.memory_space<semaphore_mem>>) src(%arg15 : memref<96x16xf32, #tpu.memory_space<vmem>>) dst(%dma_wait3A_291 : memref<96x16xf32, #tpu.memory_space<vmem_shared>>)
      tpu.yield
    }) : () -> ()
    %add3A_44 = arith.constant 384 : i32
    %add3A_45 = arith.addi %mul3A_27, %add3A_44 : i32
    "tpu.region"() ({
      %run_scoped3A = tpu.sem_alloc : memref<!tpu.dma_semaphore, #tpu.memory_space<semaphore_mem>>
      %dma_start3A_284 = arith.constant 0 : i32
      %dma_start3A_285 = tpu.memref_slice %arg16[%add3A_45, %dma_start3A_284] : memref<10064x64xf32, #tpu.memory_space<vmem_shared>> -> memref<96x64xf32, #tpu.memory_space<vmem_shared>>
      %dma_start3A_286 = arith.constant 0 : i32
      %dma_start3A_287 = tpu.memref_slice %arg16[%add3A_45, %dma_start3A_286] : memref<10064x64xf32, #tpu.memory_space<vmem_shared>> -> memref<96x64xf32, #tpu.memory_space<vmem_shared>>
      tpu.enqueue_dma source(%arg9 : memref<96x64xf32, #tpu.memory_space<vmem>>) target(%dma_start3A_287 : memref<96x64xf32, #tpu.memory_space<vmem_shared>>) target_semaphore(%run_scoped3A : memref<!tpu.dma_semaphore, #tpu.memory_space<semaphore_mem>>)
      %dma_wait3A_288 = arith.constant 0 : i32
      %dma_wait3A_289 = tpu.memref_slice %arg16[%add3A_45, %dma_wait3A_288] : memref<10064x64xf32, #tpu.memory_space<vmem_shared>> -> memref<96x64xf32, #tpu.memory_space<vmem_shared>>
      %dma_wait3A_290 = arith.constant 0 : i32
      %dma_wait3A_291 = tpu.memref_slice %arg16[%add3A_45, %dma_wait3A_290] : memref<10064x64xf32, #tpu.memory_space<vmem_shared>> -> memref<96x64xf32, #tpu.memory_space<vmem_shared>>
      tpu.wait_dma2 semaphore(%run_scoped3A : memref<!tpu.dma_semaphore, #tpu.memory_space<semaphore_mem>>) src(%arg9 : memref<96x64xf32, #tpu.memory_space<vmem>>) dst(%dma_wait3A_291 : memref<96x64xf32, #tpu.memory_space<vmem_shared>>)
      tpu.yield
    }) : () -> ()
    %add3A_46 = arith.constant 384 : i32
    %add3A_47 = arith.addi %mul3A_27, %add3A_46 : i32
    "tpu.region"() ({
      %run_scoped3A = tpu.sem_alloc : memref<!tpu.dma_semaphore, #tpu.memory_space<semaphore_mem>>
      %dma_start3A_284 = arith.constant 0 : i32
      %dma_start3A_285 = tpu.memref_slice %arg17[%add3A_47, %dma_start3A_284] : memref<10064x16xf32, #tpu.memory_space<vmem_shared>> -> memref<96x16xf32, #tpu.memory_space<vmem_shared>>
      %dma_start3A_286 = arith.constant 0 : i32
      %dma_start3A_287 = tpu.memref_slice %arg17[%add3A_47, %dma_start3A_286] : memref<10064x16xf32, #tpu.memory_space<vmem_shared>> -> memref<96x16xf32, #tpu.memory_space<vmem_shared>>
      tpu.enqueue_dma source(%arg15 : memref<96x16xf32, #tpu.memory_space<vmem>>) target(%dma_start3A_287 : memref<96x16xf32, #tpu.memory_space<vmem_shared>>) target_semaphore(%run_scoped3A : memref<!tpu.dma_semaphore, #tpu.memory_space<semaphore_mem>>)
      %dma_wait3A_288 = arith.constant 0 : i32
      %dma_wait3A_289 = tpu.memref_slice %arg17[%add3A_47, %dma_wait3A_288] : memref<10064x16xf32, #tpu.memory_space<vmem_shared>> -> memref<96x16xf32, #tpu.memory_space<vmem_shared>>
      %dma_wait3A_290 = arith.constant 0 : i32
      %dma_wait3A_291 = tpu.memref_slice %arg17[%add3A_47, %dma_wait3A_290] : memref<10064x16xf32, #tpu.memory_space<vmem_shared>> -> memref<96x16xf32, #tpu.memory_space<vmem_shared>>
      tpu.wait_dma2 semaphore(%run_scoped3A : memref<!tpu.dma_semaphore, #tpu.memory_space<semaphore_mem>>) src(%arg15 : memref<96x16xf32, #tpu.memory_space<vmem>>) dst(%dma_wait3A_291 : memref<96x16xf32, #tpu.memory_space<vmem_shared>>)
      tpu.yield
    }) : () -> ()
    %add3A_48 = arith.constant 480 : i32
    %add3A_49 = arith.addi %mul3A_27, %add3A_48 : i32
    "tpu.region"() ({
      %run_scoped3A = tpu.sem_alloc : memref<!tpu.dma_semaphore, #tpu.memory_space<semaphore_mem>>
      %dma_start3A_284 = arith.constant 0 : i32
      %dma_start3A_285 = tpu.memref_slice %arg16[%add3A_49, %dma_start3A_284] : memref<10064x64xf32, #tpu.memory_space<vmem_shared>> -> memref<96x64xf32, #tpu.memory_space<vmem_shared>>
      %dma_start3A_286 = arith.constant 0 : i32
      %dma_start3A_287 = tpu.memref_slice %arg16[%add3A_49, %dma_start3A_286] : memref<10064x64xf32, #tpu.memory_space<vmem_shared>> -> memref<96x64xf32, #tpu.memory_space<vmem_shared>>
      tpu.enqueue_dma source(%arg9 : memref<96x64xf32, #tpu.memory_space<vmem>>) target(%dma_start3A_287 : memref<96x64xf32, #tpu.memory_space<vmem_shared>>) target_semaphore(%run_scoped3A : memref<!tpu.dma_semaphore, #tpu.memory_space<semaphore_mem>>)
      %dma_wait3A_288 = arith.constant 0 : i32
      %dma_wait3A_289 = tpu.memref_slice %arg16[%add3A_49, %dma_wait3A_288] : memref<10064x64xf32, #tpu.memory_space<vmem_shared>> -> memref<96x64xf32, #tpu.memory_space<vmem_shared>>
      %dma_wait3A_290 = arith.constant 0 : i32
      %dma_wait3A_291 = tpu.memref_slice %arg16[%add3A_49, %dma_wait3A_290] : memref<10064x64xf32, #tpu.memory_space<vmem_shared>> -> memref<96x64xf32, #tpu.memory_space<vmem_shared>>
      tpu.wait_dma2 semaphore(%run_scoped3A : memref<!tpu.dma_semaphore, #tpu.memory_space<semaphore_mem>>) src(%arg9 : memref<96x64xf32, #tpu.memory_space<vmem>>) dst(%dma_wait3A_291 : memref<96x64xf32, #tpu.memory_space<vmem_shared>>)
      tpu.yield
    }) : () -> ()
    %add3A_50 = arith.constant 480 : i32
    %add3A_51 = arith.addi %mul3A_27, %add3A_50 : i32
    "tpu.region"() ({
      %run_scoped3A = tpu.sem_alloc : memref<!tpu.dma_semaphore, #tpu.memory_space<semaphore_mem>>
      %dma_start3A_284 = arith.constant 0 : i32
      %dma_start3A_285 = tpu.memref_slice %arg17[%add3A_51, %dma_start3A_284] : memref<10064x16xf32, #tpu.memory_space<vmem_shared>> -> memref<96x16xf32, #tpu.memory_space<vmem_shared>>
      %dma_start3A_286 = arith.constant 0 : i32
      %dma_start3A_287 = tpu.memref_slice %arg17[%add3A_51, %dma_start3A_286] : memref<10064x16xf32, #tpu.memory_space<vmem_shared>> -> memref<96x16xf32, #tpu.memory_space<vmem_shared>>
      tpu.enqueue_dma source(%arg15 : memref<96x16xf32, #tpu.memory_space<vmem>>) target(%dma_start3A_287 : memref<96x16xf32, #tpu.memory_space<vmem_shared>>) target_semaphore(%run_scoped3A : memref<!tpu.dma_semaphore, #tpu.memory_space<semaphore_mem>>)
      %dma_wait3A_288 = arith.constant 0 : i32
      %dma_wait3A_289 = tpu.memref_slice %arg17[%add3A_51, %dma_wait3A_288] : memref<10064x16xf32, #tpu.memory_space<vmem_shared>> -> memref<96x16xf32, #tpu.memory_space<vmem_shared>>
      %dma_wait3A_290 = arith.constant 0 : i32
      %dma_wait3A_291 = tpu.memref_slice %arg17[%add3A_51, %dma_wait3A_290] : memref<10064x16xf32, #tpu.memory_space<vmem_shared>> -> memref<96x16xf32, #tpu.memory_space<vmem_shared>>
      tpu.wait_dma2 semaphore(%run_scoped3A : memref<!tpu.dma_semaphore, #tpu.memory_space<semaphore_mem>>) src(%arg15 : memref<96x16xf32, #tpu.memory_space<vmem>>) dst(%dma_wait3A_291 : memref<96x16xf32, #tpu.memory_space<vmem_shared>>)
      tpu.yield
    }) : () -> ()
    %add3A_52 = arith.constant 576 : i32
    %add3A_53 = arith.addi %mul3A_27, %add3A_52 : i32
    "tpu.region"() ({
      %run_scoped3A = tpu.sem_alloc : memref<!tpu.dma_semaphore, #tpu.memory_space<semaphore_mem>>
      %dma_start3A_284 = arith.constant 0 : i32
      %dma_start3A_285 = arith.constant 0 : i32
      %dma_start3A_286 = tpu.memref_slice %arg9[%dma_start3A_284, %dma_start3A_285] : memref<96x64xf32, #tpu.memory_space<vmem>> -> memref<53x64xf32, #tpu.memory_space<vmem>>
      %dma_start3A_287 = arith.constant 0 : i32
      %dma_start3A_288 = tpu.memref_slice %arg16[%add3A_53, %dma_start3A_287] : memref<10064x64xf32, #tpu.memory_space<vmem_shared>> -> memref<53x64xf32, #tpu.memory_space<vmem_shared>>
      %dma_start3A_289 = arith.constant 0 : i32
      %dma_start3A_290 = tpu.memref_slice %arg16[%add3A_53, %dma_start3A_289] : memref<10064x64xf32, #tpu.memory_space<vmem_shared>> -> memref<53x64xf32, #tpu.memory_space<vmem_shared>>
      %dma_start3A_291 = arith.constant 0 : i32
      %dma_start3A_292 = arith.constant 0 : i32
      %dma_start3A_293 = tpu.memref_slice %arg9[%dma_start3A_291, %dma_start3A_292] : memref<96x64xf32, #tpu.memory_space<vmem>> -> memref<53x64xf32, #tpu.memory_space<vmem>>
      tpu.enqueue_dma source(%dma_start3A_293 : memref<53x64xf32, #tpu.memory_space<vmem>>) target(%dma_start3A_290 : memref<53x64xf32, #tpu.memory_space<vmem_shared>>) target_semaphore(%run_scoped3A : memref<!tpu.dma_semaphore, #tpu.memory_space<semaphore_mem>>)
      %dma_wait3A_294 = arith.constant 0 : i32
      %dma_wait3A_295 = arith.constant 0 : i32
      %dma_wait3A_296 = tpu.memref_slice %arg9[%dma_wait3A_294, %dma_wait3A_295] : memref<96x64xf32, #tpu.memory_space<vmem>> -> memref<53x64xf32, #tpu.memory_space<vmem>>
      %dma_wait3A_297 = arith.constant 0 : i32
      %dma_wait3A_298 = tpu.memref_slice %arg16[%add3A_53, %dma_wait3A_297] : memref<10064x64xf32, #tpu.memory_space<vmem_shared>> -> memref<53x64xf32, #tpu.memory_space<vmem_shared>>
      %dma_wait3A_299 = arith.constant 0 : i32
      %dma_wait3A_300 = tpu.memref_slice %arg16[%add3A_53, %dma_wait3A_299] : memref<10064x64xf32, #tpu.memory_space<vmem_shared>> -> memref<53x64xf32, #tpu.memory_space<vmem_shared>>
      %dma_wait3A_301 = arith.constant 0 : i32
      %dma_wait3A_302 = arith.constant 0 : i32
      %dma_wait3A_303 = tpu.memref_slice %arg9[%dma_wait3A_301, %dma_wait3A_302] : memref<96x64xf32, #tpu.memory_space<vmem>> -> memref<53x64xf32, #tpu.memory_space<vmem>>
      tpu.wait_dma2 semaphore(%run_scoped3A : memref<!tpu.dma_semaphore, #tpu.memory_space<semaphore_mem>>) src(%dma_wait3A_303 : memref<53x64xf32, #tpu.memory_space<vmem>>) dst(%dma_wait3A_300 : memref<53x64xf32, #tpu.memory_space<vmem_shared>>)
      tpu.yield
    }) : () -> ()
    %add3A_54 = arith.constant 576 : i32
    %add3A_55 = arith.addi %mul3A_27, %add3A_54 : i32
    "tpu.region"() ({
      %run_scoped3A = tpu.sem_alloc : memref<!tpu.dma_semaphore, #tpu.memory_space<semaphore_mem>>
      %dma_start3A_284 = arith.constant 0 : i32
      %dma_start3A_285 = arith.constant 0 : i32
      %dma_start3A_286 = tpu.memref_slice %arg15[%dma_start3A_284, %dma_start3A_285] : memref<96x16xf32, #tpu.memory_space<vmem>> -> memref<53x16xf32, #tpu.memory_space<vmem>>
      %dma_start3A_287 = arith.constant 0 : i32
      %dma_start3A_288 = tpu.memref_slice %arg17[%add3A_55, %dma_start3A_287] : memref<10064x16xf32, #tpu.memory_space<vmem_shared>> -> memref<53x16xf32, #tpu.memory_space<vmem_shared>>
      %dma_start3A_289 = arith.constant 0 : i32
      %dma_start3A_290 = tpu.memref_slice %arg17[%add3A_55, %dma_start3A_289] : memref<10064x16xf32, #tpu.memory_space<vmem_shared>> -> memref<53x16xf32, #tpu.memory_space<vmem_shared>>
      %dma_start3A_291 = arith.constant 0 : i32
      %dma_start3A_292 = arith.constant 0 : i32
      %dma_start3A_293 = tpu.memref_slice %arg15[%dma_start3A_291, %dma_start3A_292] : memref<96x16xf32, #tpu.memory_space<vmem>> -> memref<53x16xf32, #tpu.memory_space<vmem>>
      tpu.enqueue_dma source(%dma_start3A_293 : memref<53x16xf32, #tpu.memory_space<vmem>>) target(%dma_start3A_290 : memref<53x16xf32, #tpu.memory_space<vmem_shared>>) target_semaphore(%run_scoped3A : memref<!tpu.dma_semaphore, #tpu.memory_space<semaphore_mem>>)
      %dma_wait3A_294 = arith.constant 0 : i32
      %dma_wait3A_295 = arith.constant 0 : i32
      %dma_wait3A_296 = tpu.memref_slice %arg15[%dma_wait3A_294, %dma_wait3A_295] : memref<96x16xf32, #tpu.memory_space<vmem>> -> memref<53x16xf32, #tpu.memory_space<vmem>>
      %dma_wait3A_297 = arith.constant 0 : i32
      %dma_wait3A_298 = tpu.memref_slice %arg17[%add3A_55, %dma_wait3A_297] : memref<10064x16xf32, #tpu.memory_space<vmem_shared>> -> memref<53x16xf32, #tpu.memory_space<vmem_shared>>
      %dma_wait3A_299 = arith.constant 0 : i32
      %dma_wait3A_300 = tpu.memref_slice %arg17[%add3A_55, %dma_wait3A_299] : memref<10064x16xf32, #tpu.memory_space<vmem_shared>> -> memref<53x16xf32, #tpu.memory_space<vmem_shared>>
      %dma_wait3A_301 = arith.constant 0 : i32
      %dma_wait3A_302 = arith.constant 0 : i32
      %dma_wait3A_303 = tpu.memref_slice %arg15[%dma_wait3A_301, %dma_wait3A_302] : memref<96x16xf32, #tpu.memory_space<vmem>> -> memref<53x16xf32, #tpu.memory_space<vmem>>
      tpu.wait_dma2 semaphore(%run_scoped3A : memref<!tpu.dma_semaphore, #tpu.memory_space<semaphore_mem>>) src(%dma_wait3A_303 : memref<53x16xf32, #tpu.memory_space<vmem>>) dst(%dma_wait3A_300 : memref<53x16xf32, #tpu.memory_space<vmem_shared>>)
      tpu.yield
    }) : () -> ()
    %broadcast_in_dim3A_56 = arith.constant 1.000000e+00 : f32
    %broadcast_in_dim3A_57 = vector.broadcast %broadcast_in_dim3A_56 : f32 to vector<16xf32>
    %scan3A_58 = arith.constant 0 : i32
    %scan3A_59 = arith.constant 0 : i32
    %scan3A_60 = arith.constant 96 : i32
    %scan3A_61 = arith.addi %scan3A_59, %scan3A_60 : i32
    %scan3A_62 = arith.constant 1 : i32
    %scan3A_63 = scf.for %scan3A_284 = %scan3A_59 to %scan3A_61 step %scan3A_62 iter_args(%scan3A_285 = %scan3A_58) -> (i32)  : i32 {
      %swap3A = arith.index_cast %scan3A_284 : i32 to index
      %swap3A_286 = arith.constant 0 : index
      %swap3A_287 = tpu.vector_load %arg15[%swap3A, %swap3A_286] {strides = array<i32>} : memref<96x16xf32, #tpu.memory_space<vmem>>, vector<1x16xf32>,
      %swap3A_288 = vector.shape_cast %swap3A_287 : vector<1x16xf32> to vector<16xf32>
      %swap3A_289 = vector.shape_cast %broadcast_in_dim3A_57 : vector<16xf32> to vector<1x16xf32>
      tpu.vector_store %arg15[%swap3A, %swap3A_286], %swap3A_289 {strides = array<i32>} : memref<96x16xf32, #tpu.memory_space<vmem>>, vector<1x16xf32>,
      %scan3A_290 = arith.constant 0 : i32
      scf.yield %scan3A_290 : i32
    }
    %scan3A_64 = arith.constant 96 : i32
    %barrier3A = arith.constant 0 : index
    tpu.barrier barrier_id(%barrier3A)
    %dma_start3A = arith.constant 0 : i32
    %dma_start3A_65 = arith.constant 0 : i32
    %dma_start3A_66 = tpu.memref_slice %arg7[%dma_start3A, %dma_start3A_65] : memref<209x96xi32, #tpu.memory_space<vmem>> -> memref<1x96xi32, #tpu.memory_space<vmem>>
    %dma_start3A_67 = tpu.memref_squeeze %dma_start3A_66 : memref<1x96xi32, #tpu.memory_space<vmem>> -> memref<96xi32, #tpu.memory_space<vmem>>
    %dma_start3A_68 = arith.constant 0 : i32
    %dma_start3A_69 = arith.constant 0 : i32
    %dma_start3A_70 = tpu.memref_slice %arg2[%dma_start3A_68, %dma_start3A_69] : memref<40000x64xf32, #tpu.memory_space<hbm>> -> memref<40000x64xf32, #tpu.memory_space<hbm>>
    tpu.enqueue_indirect_dma source(%dma_start3A_70 : memref<40000x64xf32, #tpu.memory_space<hbm>>) target(%arg9 : memref<96x64xf32, #tpu.memory_space<vmem>>) offsets(%dma_start3A_67 : memref<96xi32, #tpu.memory_space<vmem>>) semaphore(%arg18 : memref<!tpu.dma_semaphore, #tpu.memory_space<semaphore_mem>>)
    %dma_start3A_71 = arith.constant 1 : i32
    %dma_start3A_72 = arith.constant 0 : i32
    %dma_start3A_73 = tpu.memref_slice %arg7[%dma_start3A_71, %dma_start3A_72] : memref<209x96xi32, #tpu.memory_space<vmem>> -> memref<1x96xi32, #tpu.memory_space<vmem>>
    %dma_start3A_74 = tpu.memref_squeeze %dma_start3A_73 : memref<1x96xi32, #tpu.memory_space<vmem>> -> memref<96xi32, #tpu.memory_space<vmem>>
    %dma_start3A_75 = arith.constant 0 : i32
    %dma_start3A_76 = arith.constant 0 : i32
    %dma_start3A_77 = tpu.memref_slice %arg2[%dma_start3A_75, %dma_start3A_76] : memref<40000x64xf32, #tpu.memory_space<hbm>> -> memref<40000x64xf32, #tpu.memory_space<hbm>>
    tpu.enqueue_indirect_dma source(%dma_start3A_77 : memref<40000x64xf32, #tpu.memory_space<hbm>>) target(%arg10 : memref<96x64xf32, #tpu.memory_space<vmem>>) offsets(%dma_start3A_74 : memref<96xi32, #tpu.memory_space<vmem>>) semaphore(%arg19 : memref<!tpu.dma_semaphore, #tpu.memory_space<semaphore_mem>>)
    %dma_start3A_78 = arith.constant 2 : i32
    %dma_start3A_79 = arith.constant 0 : i32
    %dma_start3A_80 = tpu.memref_slice %arg7[%dma_start3A_78, %dma_start3A_79] : memref<209x96xi32, #tpu.memory_space<vmem>> -> memref<1x96xi32, #tpu.memory_space<vmem>>
    %dma_start3A_81 = tpu.memref_squeeze %dma_start3A_80 : memref<1x96xi32, #tpu.memory_space<vmem>> -> memref<96xi32, #tpu.memory_space<vmem>>
    %dma_start3A_82 = arith.constant 0 : i32
    %dma_start3A_83 = arith.constant 0 : i32
    %dma_start3A_84 = tpu.memref_slice %arg2[%dma_start3A_82, %dma_start3A_83] : memref<40000x64xf32, #tpu.memory_space<hbm>> -> memref<40000x64xf32, #tpu.memory_space<hbm>>
    tpu.enqueue_indirect_dma source(%dma_start3A_84 : memref<40000x64xf32, #tpu.memory_space<hbm>>) target(%arg11 : memref<96x64xf32, #tpu.memory_space<vmem>>) offsets(%dma_start3A_81 : memref<96xi32, #tpu.memory_space<vmem>>) semaphore(%arg20 : memref<!tpu.dma_semaphore, #tpu.memory_space<semaphore_mem>>)
    %dma_start3A_85 = arith.constant 3 : i32
    %dma_start3A_86 = arith.constant 0 : i32
    %dma_start3A_87 = tpu.memref_slice %arg7[%dma_start3A_85, %dma_start3A_86] : memref<209x96xi32, #tpu.memory_space<vmem>> -> memref<1x96xi32, #tpu.memory_space<vmem>>
    %dma_start3A_88 = tpu.memref_squeeze %dma_start3A_87 : memref<1x96xi32, #tpu.memory_space<vmem>> -> memref<96xi32, #tpu.memory_space<vmem>>
    %dma_start3A_89 = arith.constant 0 : i32
    %dma_start3A_90 = arith.constant 0 : i32
    %dma_start3A_91 = tpu.memref_slice %arg2[%dma_start3A_89, %dma_start3A_90] : memref<40000x64xf32, #tpu.memory_space<hbm>> -> memref<40000x64xf32, #tpu.memory_space<hbm>>
    tpu.enqueue_indirect_dma source(%dma_start3A_91 : memref<40000x64xf32, #tpu.memory_space<hbm>>) target(%arg12 : memref<96x64xf32, #tpu.memory_space<vmem>>) offsets(%dma_start3A_88 : memref<96xi32, #tpu.memory_space<vmem>>) semaphore(%arg21 : memref<!tpu.dma_semaphore, #tpu.memory_space<semaphore_mem>>)
    %scan3A_92 = arith.constant 0 : i32
    %scan3A_93 = arith.constant 0 : i32
    %scan3A_94 = arith.constant 34 : i32
    %scan3A_95 = arith.addi %scan3A_93, %scan3A_94 : i32
    %scan3A_96 = arith.constant 1 : i32
    %scan3A_97 = scf.for %scan3A_284 = %scan3A_93 to %scan3A_95 step %scan3A_96 iter_args(%scan3A_285 = %scan3A_92) -> (i32)  : i32 {
      %mul3A_286 = arith.constant 6 : i32
      %mul3A_287 = arith.muli %mul3A_286, %scan3A_284 : i32
      %add3A_288 = arith.constant 0 : i32
      %add3A_289 = arith.addi %mul3A_287, %add3A_288 : i32
      %dma_wait3A_290 = arith.constant 0 : i32
      %dma_wait3A_291 = tpu.memref_slice %arg7[%add3A_289, %dma_wait3A_290] : memref<209x96xi32, #tpu.memory_space<vmem>> -> memref<1x96xi32, #tpu.memory_space<vmem>>
      %dma_wait3A_292 = tpu.memref_squeeze %dma_wait3A_291 : memref<1x96xi32, #tpu.memory_space<vmem>> -> memref<96xi32, #tpu.memory_space<vmem>>
      %dma_wait3A_293 = arith.constant 0 : i32
      %dma_wait3A_294 = arith.constant 0 : i32
      %dma_wait3A_295 = tpu.memref_slice %arg2[%dma_wait3A_293, %dma_wait3A_294] : memref<40000x64xf32, #tpu.memory_space<hbm>> -> memref<40000x64xf32, #tpu.memory_space<hbm>>
      tpu.wait_indirect_dma semaphore(%arg18 : memref<!tpu.dma_semaphore, #tpu.memory_space<semaphore_mem>>) src(%dma_wait3A_295 : memref<40000x64xf32, #tpu.memory_space<hbm>>) dst(%arg9 : memref<96x64xf32, #tpu.memory_space<vmem>>)
      %ge3A_296 = arith.constant 2 : i32
      %ge3A_297 = arith.cmpi sge, %add3A_289, %ge3A_296 : i32
      %convert_element_type3A_298 = arith.extui %ge3A_297 : i1 to i32
      %cond3A_299 = arith.constant 0 : i32
      %cond3A_300 = arith.cmpi ne, %convert_element_type3A_298, %cond3A_299 : i32
      scf.if %cond3A_300 {
        %sub3A = arith.constant 2 : i32
        %sub3A_479 = arith.subi %add3A_289, %sub3A : i32
        %rem3A_480 = arith.constant 2 : i32
        %rem3A_481 = arith.remsi %add3A_289, %rem3A_480 : i32
        %dma_wait3A_482 = arith.constant 0 : i32
        %dma_wait3A_483 = tpu.memref_slice %arg8[%sub3A_479, %dma_wait3A_482] : memref<209x96xi32, #tpu.memory_space<vmem>> -> memref<1x96xi32, #tpu.memory_space<vmem>>
        %dma_wait3A_484 = tpu.memref_squeeze %dma_wait3A_483 : memref<1x96xi32, #tpu.memory_space<vmem>> -> memref<96xi32, #tpu.memory_space<vmem>>
        %dma_wait3A_485 = arith.constant 0 : i32
        %dma_wait3A_486 = arith.constant 0 : i32
        %dma_wait3A_487 = tpu.memref_slice %arg16[%dma_wait3A_485, %dma_wait3A_486] : memref<10064x64xf32, #tpu.memory_space<vmem_shared>> -> memref<10064x64xf32, #tpu.memory_space<vmem_shared>>
        tpu.wait_indirect_dma semaphore(%arg28 : memref<!tpu.dma_semaphore, #tpu.memory_space<semaphore_mem>>) src(%arg13 : memref<96x64xf32, #tpu.memory_space<vmem>>) dst(%dma_wait3A_487 : memref<10064x64xf32, #tpu.memory_space<vmem_shared>>)
        %eq3A_488 = arith.cmpi eq, %arg0, %rem3A_481 : i32
        %convert_element_type3A_489 = arith.extui %eq3A_488 : i1 to i32
        %cond3A_490 = arith.constant 0 : i32
        %cond3A_491 = arith.cmpi ne, %convert_element_type3A_489, %cond3A_490 : i32
        scf.if %cond3A_491 {
          %dma_wait3A_492 = arith.constant 0 : i32
          %dma_wait3A_493 = tpu.memref_slice %arg8[%sub3A_479, %dma_wait3A_492] : memref<209x96xi32, #tpu.memory_space<vmem>> -> memref<1x96xi32, #tpu.memory_space<vmem>>
          %dma_wait3A_494 = tpu.memref_squeeze %dma_wait3A_493 : memref<1x96xi32, #tpu.memory_space<vmem>> -> memref<96xi32, #tpu.memory_space<vmem>>
          %dma_wait3A_495 = arith.constant 0 : i32
          %dma_wait3A_496 = arith.constant 0 : i32
          %dma_wait3A_497 = tpu.memref_slice %arg17[%dma_wait3A_495, %dma_wait3A_496] : memref<10064x16xf32, #tpu.memory_space<vmem_shared>> -> memref<10064x16xf32, #tpu.memory_space<vmem_shared>>
          tpu.wait_indirect_dma semaphore(%arg28 : memref<!tpu.dma_semaphore, #tpu.memory_space<semaphore_mem>>) src(%arg15 : memref<96x16xf32, #tpu.memory_space<vmem>>) dst(%dma_wait3A_497 : memref<10064x16xf32, #tpu.memory_space<vmem_shared>>)
        } else {
        }
      } else {
      }
      %add3A_301 = arith.constant 4 : i32
      %add3A_302 = arith.addi %add3A_289, %add3A_301 : i32
      %lt3A = arith.constant 209 : i32
      %lt3A_303 = arith.cmpi slt, %add3A_302, %lt3A : i32
      %convert_element_type3A_304 = arith.extui %lt3A_303 : i1 to i32
      %cond3A_305 = arith.constant 0 : i32
      %cond3A_306 = arith.cmpi ne, %convert_element_type3A_304, %cond3A_305 : i32
      scf.if %cond3A_306 {
        %add3A_479 = arith.constant 4 : i32
        %add3A_480 = arith.addi %add3A_289, %add3A_479 : i32
        %dma_start3A_481 = arith.constant 0 : i32
        %dma_start3A_482 = tpu.memref_slice %arg7[%add3A_480, %dma_start3A_481] : memref<209x96xi32, #tpu.memory_space<vmem>> -> memref<1x96xi32, #tpu.memory_space<vmem>>
        %dma_start3A_483 = tpu.memref_squeeze %dma_start3A_482 : memref<1x96xi32, #tpu.memory_space<vmem>> -> memref<96xi32, #tpu.memory_space<vmem>>
        %dma_start3A_484 = arith.constant 0 : i32
        %dma_start3A_485 = arith.constant 0 : i32
        %dma_start3A_486 = tpu.memref_slice %arg2[%dma_start3A_484, %dma_start3A_485] : memref<40000x64xf32, #tpu.memory_space<hbm>> -> memref<40000x64xf32, #tpu.memory_space<hbm>>
        tpu.enqueue_indirect_dma source(%dma_start3A_486 : memref<40000x64xf32, #tpu.memory_space<hbm>>) target(%arg13 : memref<96x64xf32, #tpu.memory_space<vmem>>) offsets(%dma_start3A_483 : memref<96xi32, #tpu.memory_space<vmem>>) semaphore(%arg22 : memref<!tpu.dma_semaphore, #tpu.memory_space<semaphore_mem>>)
      } else {
      }
      %rem3A = arith.constant 2 : i32
      %rem3A_307 = arith.remsi %add3A_289, %rem3A : i32
      %dma_start3A_308 = arith.constant 0 : i32
      %dma_start3A_309 = tpu.memref_slice %arg8[%add3A_289, %dma_start3A_308] : memref<209x96xi32, #tpu.memory_space<vmem>> -> memref<1x96xi32, #tpu.memory_space<vmem>>
      %dma_start3A_310 = tpu.memref_squeeze %dma_start3A_309 : memref<1x96xi32, #tpu.memory_space<vmem>> -> memref<96xi32, #tpu.memory_space<vmem>>
      %dma_start3A_311 = arith.constant 0 : i32
      %dma_start3A_312 = arith.constant 0 : i32
      %dma_start3A_313 = tpu.memref_slice %arg16[%dma_start3A_311, %dma_start3A_312] : memref<10064x64xf32, #tpu.memory_space<vmem_shared>> -> memref<10064x64xf32, #tpu.memory_space<vmem_shared>>
      tpu.enqueue_indirect_dma source(%arg9 : memref<96x64xf32, #tpu.memory_space<vmem>>) target(%dma_start3A_313 : memref<10064x64xf32, #tpu.memory_space<vmem_shared>>) offsets(%dma_start3A_310 : memref<96xi32, #tpu.memory_space<vmem>>) semaphore(%arg24 : memref<!tpu.dma_semaphore, #tpu.memory_space<semaphore_mem>>) {add = true}
      %eq3A_314 = arith.cmpi eq, %arg0, %rem3A_307 : i32
      %convert_element_type3A_315 = arith.extui %eq3A_314 : i1 to i32
      %cond3A_316 = arith.constant 0 : i32
      %cond3A_317 = arith.cmpi ne, %convert_element_type3A_315, %cond3A_316 : i32
      scf.if %cond3A_317 {
        %dma_start3A_479 = arith.constant 0 : i32
        %dma_start3A_480 = tpu.memref_slice %arg8[%add3A_289, %dma_start3A_479] : memref<209x96xi32, #tpu.memory_space<vmem>> -> memref<1x96xi32, #tpu.memory_space<vmem>>
        %dma_start3A_481 = tpu.memref_squeeze %dma_start3A_480 : memref<1x96xi32, #tpu.memory_space<vmem>> -> memref<96xi32, #tpu.memory_space<vmem>>
        %dma_start3A_482 = arith.constant 0 : i32
        %dma_start3A_483 = arith.constant 0 : i32
        %dma_start3A_484 = tpu.memref_slice %arg17[%dma_start3A_482, %dma_start3A_483] : memref<10064x16xf32, #tpu.memory_space<vmem_shared>> -> memref<10064x16xf32, #tpu.memory_space<vmem_shared>>
        tpu.enqueue_indirect_dma source(%arg15 : memref<96x16xf32, #tpu.memory_space<vmem>>) target(%dma_start3A_484 : memref<10064x16xf32, #tpu.memory_space<vmem_shared>>) offsets(%dma_start3A_481 : memref<96xi32, #tpu.memory_space<vmem>>) semaphore(%arg24 : memref<!tpu.dma_semaphore, #tpu.memory_space<semaphore_mem>>) {add = true}
      } else {
      }
      %add3A_318 = arith.constant 1 : i32
      %add3A_319 = arith.addi %mul3A_287, %add3A_318 : i32
      %dma_wait3A_320 = arith.constant 0 : i32
      %dma_wait3A_321 = tpu.memref_slice %arg7[%add3A_319, %dma_wait3A_320] : memref<209x96xi32, #tpu.memory_space<vmem>> -> memref<1x96xi32, #tpu.memory_space<vmem>>
      %dma_wait3A_322 = tpu.memref_squeeze %dma_wait3A_321 : memref<1x96xi32, #tpu.memory_space<vmem>> -> memref<96xi32, #tpu.memory_space<vmem>>
      %dma_wait3A_323 = arith.constant 0 : i32
      %dma_wait3A_324 = arith.constant 0 : i32
      %dma_wait3A_325 = tpu.memref_slice %arg2[%dma_wait3A_323, %dma_wait3A_324] : memref<40000x64xf32, #tpu.memory_space<hbm>> -> memref<40000x64xf32, #tpu.memory_space<hbm>>
      tpu.wait_indirect_dma semaphore(%arg19 : memref<!tpu.dma_semaphore, #tpu.memory_space<semaphore_mem>>) src(%dma_wait3A_325 : memref<40000x64xf32, #tpu.memory_space<hbm>>) dst(%arg10 : memref<96x64xf32, #tpu.memory_space<vmem>>)
      %ge3A_326 = arith.constant 2 : i32
      %ge3A_327 = arith.cmpi sge, %add3A_319, %ge3A_326 : i32
      %convert_element_type3A_328 = arith.extui %ge3A_327 : i1 to i32
      %cond3A_329 = arith.constant 0 : i32
      %cond3A_330 = arith.cmpi ne, %convert_element_type3A_328, %cond3A_329 : i32
      scf.if %cond3A_330 {
        %sub3A = arith.constant 2 : i32
        %sub3A_479 = arith.subi %add3A_319, %sub3A : i32
        %rem3A_480 = arith.constant 2 : i32
        %rem3A_481 = arith.remsi %add3A_319, %rem3A_480 : i32
        %dma_wait3A_482 = arith.constant 0 : i32
        %dma_wait3A_483 = tpu.memref_slice %arg8[%sub3A_479, %dma_wait3A_482] : memref<209x96xi32, #tpu.memory_space<vmem>> -> memref<1x96xi32, #tpu.memory_space<vmem>>
        %dma_wait3A_484 = tpu.memref_squeeze %dma_wait3A_483 : memref<1x96xi32, #tpu.memory_space<vmem>> -> memref<96xi32, #tpu.memory_space<vmem>>
        %dma_wait3A_485 = arith.constant 0 : i32
        %dma_wait3A_486 = arith.constant 0 : i32
        %dma_wait3A_487 = tpu.memref_slice %arg16[%dma_wait3A_485, %dma_wait3A_486] : memref<10064x64xf32, #tpu.memory_space<vmem_shared>> -> memref<10064x64xf32, #tpu.memory_space<vmem_shared>>
        tpu.wait_indirect_dma semaphore(%arg29 : memref<!tpu.dma_semaphore, #tpu.memory_space<semaphore_mem>>) src(%arg14 : memref<96x64xf32, #tpu.memory_space<vmem>>) dst(%dma_wait3A_487 : memref<10064x64xf32, #tpu.memory_space<vmem_shared>>)
        %eq3A_488 = arith.cmpi eq, %arg0, %rem3A_481 : i32
        %convert_element_type3A_489 = arith.extui %eq3A_488 : i1 to i32
        %cond3A_490 = arith.constant 0 : i32
        %cond3A_491 = arith.cmpi ne, %convert_element_type3A_489, %cond3A_490 : i32
        scf.if %cond3A_491 {
          %dma_wait3A_492 = arith.constant 0 : i32
          %dma_wait3A_493 = tpu.memref_slice %arg8[%sub3A_479, %dma_wait3A_492] : memref<209x96xi32, #tpu.memory_space<vmem>> -> memref<1x96xi32, #tpu.memory_space<vmem>>
          %dma_wait3A_494 = tpu.memref_squeeze %dma_wait3A_493 : memref<1x96xi32, #tpu.memory_space<vmem>> -> memref<96xi32, #tpu.memory_space<vmem>>
          %dma_wait3A_495 = arith.constant 0 : i32
          %dma_wait3A_496 = arith.constant 0 : i32
          %dma_wait3A_497 = tpu.memref_slice %arg17[%dma_wait3A_495, %dma_wait3A_496] : memref<10064x16xf32, #tpu.memory_space<vmem_shared>> -> memref<10064x16xf32, #tpu.memory_space<vmem_shared>>
          tpu.wait_indirect_dma semaphore(%arg29 : memref<!tpu.dma_semaphore, #tpu.memory_space<semaphore_mem>>) src(%arg15 : memref<96x16xf32, #tpu.memory_space<vmem>>) dst(%dma_wait3A_497 : memref<10064x16xf32, #tpu.memory_space<vmem_shared>>)
        } else {
        }
      } else {
      }
      %add3A_331 = arith.constant 4 : i32
      %add3A_332 = arith.addi %add3A_319, %add3A_331 : i32
      %lt3A_333 = arith.constant 209 : i32
      %lt3A_334 = arith.cmpi slt, %add3A_332, %lt3A_333 : i32
      %convert_element_type3A_335 = arith.extui %lt3A_334 : i1 to i32
      %cond3A_336 = arith.constant 0 : i32
      %cond3A_337 = arith.cmpi ne, %convert_element_type3A_335, %cond3A_336 : i32
      scf.if %cond3A_337 {
        %add3A_479 = arith.constant 4 : i32
        %add3A_480 = arith.addi %add3A_319, %add3A_479 : i32
        %dma_start3A_481 = arith.constant 0 : i32
        %dma_start3A_482 = tpu.memref_slice %arg7[%add3A_480, %dma_start3A_481] : memref<209x96xi32, #tpu.memory_space<vmem>> -> memref<1x96xi32, #tpu.memory_space<vmem>>
        %dma_start3A_483 = tpu.memref_squeeze %dma_start3A_482 : memref<1x96xi32, #tpu.memory_space<vmem>> -> memref<96xi32, #tpu.memory_space<vmem>>
        %dma_start3A_484 = arith.constant 0 : i32
        %dma_start3A_485 = arith.constant 0 : i32
        %dma_start3A_486 = tpu.memref_slice %arg2[%dma_start3A_484, %dma_start3A_485] : memref<40000x64xf32, #tpu.memory_space<hbm>> -> memref<40000x64xf32, #tpu.memory_space<hbm>>
        tpu.enqueue_indirect_dma source(%dma_start3A_486 : memref<40000x64xf32, #tpu.memory_space<hbm>>) target(%arg14 : memref<96x64xf32, #tpu.memory_space<vmem>>) offsets(%dma_start3A_483 : memref<96xi32, #tpu.memory_space<vmem>>) semaphore(%arg23 : memref<!tpu.dma_semaphore, #tpu.memory_space<semaphore_mem>>)
      } else {
      }
      %rem3A_338 = arith.constant 2 : i32
      %rem3A_339 = arith.remsi %add3A_319, %rem3A_338 : i32
      %dma_start3A_340 = arith.constant 0 : i32
      %dma_start3A_341 = tpu.memref_slice %arg8[%add3A_319, %dma_start3A_340] : memref<209x96xi32, #tpu.memory_space<vmem>> -> memref<1x96xi32, #tpu.memory_space<vmem>>
      %dma_start3A_342 = tpu.memref_squeeze %dma_start3A_341 : memref<1x96xi32, #tpu.memory_space<vmem>> -> memref<96xi32, #tpu.memory_space<vmem>>
      %dma_start3A_343 = arith.constant 0 : i32
      %dma_start3A_344 = arith.constant 0 : i32
      %dma_start3A_345 = tpu.memref_slice %arg16[%dma_start3A_343, %dma_start3A_344] : memref<10064x64xf32, #tpu.memory_space<vmem_shared>> -> memref<10064x64xf32, #tpu.memory_space<vmem_shared>>
      tpu.enqueue_indirect_dma source(%arg10 : memref<96x64xf32, #tpu.memory_space<vmem>>) target(%dma_start3A_345 : memref<10064x64xf32, #tpu.memory_space<vmem_shared>>) offsets(%dma_start3A_342 : memref<96xi32, #tpu.memory_space<vmem>>) semaphore(%arg25 : memref<!tpu.dma_semaphore, #tpu.memory_space<semaphore_mem>>) {add = true}
      %eq3A_346 = arith.cmpi eq, %arg0, %rem3A_339 : i32
      %convert_element_type3A_347 = arith.extui %eq3A_346 : i1 to i32
      %cond3A_348 = arith.constant 0 : i32
      %cond3A_349 = arith.cmpi ne, %convert_element_type3A_347, %cond3A_348 : i32
      scf.if %cond3A_349 {
        %dma_start3A_479 = arith.constant 0 : i32
        %dma_start3A_480 = tpu.memref_slice %arg8[%add3A_319, %dma_start3A_479] : memref<209x96xi32, #tpu.memory_space<vmem>> -> memref<1x96xi32, #tpu.memory_space<vmem>>
        %dma_start3A_481 = tpu.memref_squeeze %dma_start3A_480 : memref<1x96xi32, #tpu.memory_space<vmem>> -> memref<96xi32, #tpu.memory_space<vmem>>
        %dma_start3A_482 = arith.constant 0 : i32
        %dma_start3A_483 = arith.constant 0 : i32
        %dma_start3A_484 = tpu.memref_slice %arg17[%dma_start3A_482, %dma_start3A_483] : memref<10064x16xf32, #tpu.memory_space<vmem_shared>> -> memref<10064x16xf32, #tpu.memory_space<vmem_shared>>
        tpu.enqueue_indirect_dma source(%arg15 : memref<96x16xf32, #tpu.memory_space<vmem>>) target(%dma_start3A_484 : memref<10064x16xf32, #tpu.memory_space<vmem_shared>>) offsets(%dma_start3A_481 : memref<96xi32, #tpu.memory_space<vmem>>) semaphore(%arg25 : memref<!tpu.dma_semaphore, #tpu.memory_space<semaphore_mem>>) {add = true}
      } else {
      }
      %add3A_350 = arith.constant 2 : i32
      %add3A_351 = arith.addi %mul3A_287, %add3A_350 : i32
      %dma_wait3A_352 = arith.constant 0 : i32
      %dma_wait3A_353 = tpu.memref_slice %arg7[%add3A_351, %dma_wait3A_352] : memref<209x96xi32, #tpu.memory_space<vmem>> -> memref<1x96xi32, #tpu.memory_space<vmem>>
      %dma_wait3A_354 = tpu.memref_squeeze %dma_wait3A_353 : memref<1x96xi32, #tpu.memory_space<vmem>> -> memref<96xi32, #tpu.memory_space<vmem>>
      %dma_wait3A_355 = arith.constant 0 : i32
      %dma_wait3A_356 = arith.constant 0 : i32
      %dma_wait3A_357 = tpu.memref_slice %arg2[%dma_wait3A_355, %dma_wait3A_356] : memref<40000x64xf32, #tpu.memory_space<hbm>> -> memref<40000x64xf32, #tpu.memory_space<hbm>>
      tpu.wait_indirect_dma semaphore(%arg20 : memref<!tpu.dma_semaphore, #tpu.memory_space<semaphore_mem>>) src(%dma_wait3A_357 : memref<40000x64xf32, #tpu.memory_space<hbm>>) dst(%arg11 : memref<96x64xf32, #tpu.memory_space<vmem>>)
      %ge3A_358 = arith.constant 2 : i32
      %ge3A_359 = arith.cmpi sge, %add3A_351, %ge3A_358 : i32
      %convert_element_type3A_360 = arith.extui %ge3A_359 : i1 to i32
      %cond3A_361 = arith.constant 0 : i32
      %cond3A_362 = arith.cmpi ne, %convert_element_type3A_360, %cond3A_361 : i32
      scf.if %cond3A_362 {
        %sub3A = arith.constant 2 : i32
        %sub3A_479 = arith.subi %add3A_351, %sub3A : i32
        %rem3A_480 = arith.constant 2 : i32
        %rem3A_481 = arith.remsi %add3A_351, %rem3A_480 : i32
        %dma_wait3A_482 = arith.constant 0 : i32
        %dma_wait3A_483 = tpu.memref_slice %arg8[%sub3A_479, %dma_wait3A_482] : memref<209x96xi32, #tpu.memory_space<vmem>> -> memref<1x96xi32, #tpu.memory_space<vmem>>
        %dma_wait3A_484 = tpu.memref_squeeze %dma_wait3A_483 : memref<1x96xi32, #tpu.memory_space<vmem>> -> memref<96xi32, #tpu.memory_space<vmem>>
        %dma_wait3A_485 = arith.constant 0 : i32
        %dma_wait3A_486 = arith.constant 0 : i32
        %dma_wait3A_487 = tpu.memref_slice %arg16[%dma_wait3A_485, %dma_wait3A_486] : memref<10064x64xf32, #tpu.memory_space<vmem_shared>> -> memref<10064x64xf32, #tpu.memory_space<vmem_shared>>
        tpu.wait_indirect_dma semaphore(%arg24 : memref<!tpu.dma_semaphore, #tpu.memory_space<semaphore_mem>>) src(%arg9 : memref<96x64xf32, #tpu.memory_space<vmem>>) dst(%dma_wait3A_487 : memref<10064x64xf32, #tpu.memory_space<vmem_shared>>)
        %eq3A_488 = arith.cmpi eq, %arg0, %rem3A_481 : i32
        %convert_element_type3A_489 = arith.extui %eq3A_488 : i1 to i32
        %cond3A_490 = arith.constant 0 : i32
        %cond3A_491 = arith.cmpi ne, %convert_element_type3A_489, %cond3A_490 : i32
        scf.if %cond3A_491 {
          %dma_wait3A_492 = arith.constant 0 : i32
          %dma_wait3A_493 = tpu.memref_slice %arg8[%sub3A_479, %dma_wait3A_492] : memref<209x96xi32, #tpu.memory_space<vmem>> -> memref<1x96xi32, #tpu.memory_space<vmem>>
          %dma_wait3A_494 = tpu.memref_squeeze %dma_wait3A_493 : memref<1x96xi32, #tpu.memory_space<vmem>> -> memref<96xi32, #tpu.memory_space<vmem>>
          %dma_wait3A_495 = arith.constant 0 : i32
          %dma_wait3A_496 = arith.constant 0 : i32
          %dma_wait3A_497 = tpu.memref_slice %arg17[%dma_wait3A_495, %dma_wait3A_496] : memref<10064x16xf32, #tpu.memory_space<vmem_shared>> -> memref<10064x16xf32, #tpu.memory_space<vmem_shared>>
          tpu.wait_indirect_dma semaphore(%arg24 : memref<!tpu.dma_semaphore, #tpu.memory_space<semaphore_mem>>) src(%arg15 : memref<96x16xf32, #tpu.memory_space<vmem>>) dst(%dma_wait3A_497 : memref<10064x16xf32, #tpu.memory_space<vmem_shared>>)
        } else {
        }
      } else {
      }
      %add3A_363 = arith.constant 4 : i32
      %add3A_364 = arith.addi %add3A_351, %add3A_363 : i32
      %lt3A_365 = arith.constant 209 : i32
      %lt3A_366 = arith.cmpi slt, %add3A_364, %lt3A_365 : i32
      %convert_element_type3A_367 = arith.extui %lt3A_366 : i1 to i32
      %cond3A_368 = arith.constant 0 : i32
      %cond3A_369 = arith.cmpi ne, %convert_element_type3A_367, %cond3A_368 : i32
      scf.if %cond3A_369 {
        %add3A_479 = arith.constant 4 : i32
        %add3A_480 = arith.addi %add3A_351, %add3A_479 : i32
        %dma_start3A_481 = arith.constant 0 : i32
        %dma_start3A_482 = tpu.memref_slice %arg7[%add3A_480, %dma_start3A_481] : memref<209x96xi32, #tpu.memory_space<vmem>> -> memref<1x96xi32, #tpu.memory_space<vmem>>
        %dma_start3A_483 = tpu.memref_squeeze %dma_start3A_482 : memref<1x96xi32, #tpu.memory_space<vmem>> -> memref<96xi32, #tpu.memory_space<vmem>>
        %dma_start3A_484 = arith.constant 0 : i32
        %dma_start3A_485 = arith.constant 0 : i32
        %dma_start3A_486 = tpu.memref_slice %arg2[%dma_start3A_484, %dma_start3A_485] : memref<40000x64xf32, #tpu.memory_space<hbm>> -> memref<40000x64xf32, #tpu.memory_space<hbm>>
        tpu.enqueue_indirect_dma source(%dma_start3A_486 : memref<40000x64xf32, #tpu.memory_space<hbm>>) target(%arg9 : memref<96x64xf32, #tpu.memory_space<vmem>>) offsets(%dma_start3A_483 : memref<96xi32, #tpu.memory_space<vmem>>) semaphore(%arg18 : memref<!tpu.dma_semaphore, #tpu.memory_space<semaphore_mem>>)
      } else {
      }
      %rem3A_370 = arith.constant 2 : i32
      %rem3A_371 = arith.remsi %add3A_351, %rem3A_370 : i32
      %dma_start3A_372 = arith.constant 0 : i32
      %dma_start3A_373 = tpu.memref_slice %arg8[%add3A_351, %dma_start3A_372] : memref<209x96xi32, #tpu.memory_space<vmem>> -> memref<1x96xi32, #tpu.memory_space<vmem>>
      %dma_start3A_374 = tpu.memref_squeeze %dma_start3A_373 : memref<1x96xi32, #tpu.memory_space<vmem>> -> memref<96xi32, #tpu.memory_space<vmem>>
      %dma_start3A_375 = arith.constant 0 : i32
      %dma_start3A_376 = arith.constant 0 : i32
      %dma_start3A_377 = tpu.memref_slice %arg16[%dma_start3A_375, %dma_start3A_376] : memref<10064x64xf32, #tpu.memory_space<vmem_shared>> -> memref<10064x64xf32, #tpu.memory_space<vmem_shared>>
      tpu.enqueue_indirect_dma source(%arg11 : memref<96x64xf32, #tpu.memory_space<vmem>>) target(%dma_start3A_377 : memref<10064x64xf32, #tpu.memory_space<vmem_shared>>) offsets(%dma_start3A_374 : memref<96xi32, #tpu.memory_space<vmem>>) semaphore(%arg26 : memref<!tpu.dma_semaphore, #tpu.memory_space<semaphore_mem>>) {add = true}
      %eq3A_378 = arith.cmpi eq, %arg0, %rem3A_371 : i32
      %convert_element_type3A_379 = arith.extui %eq3A_378 : i1 to i32
      %cond3A_380 = arith.constant 0 : i32
      %cond3A_381 = arith.cmpi ne, %convert_element_type3A_379, %cond3A_380 : i32
      scf.if %cond3A_381 {
        %dma_start3A_479 = arith.constant 0 : i32
        %dma_start3A_480 = tpu.memref_slice %arg8[%add3A_351, %dma_start3A_479] : memref<209x96xi32, #tpu.memory_space<vmem>> -> memref<1x96xi32, #tpu.memory_space<vmem>>
        %dma_start3A_481 = tpu.memref_squeeze %dma_start3A_480 : memref<1x96xi32, #tpu.memory_space<vmem>> -> memref<96xi32, #tpu.memory_space<vmem>>
        %dma_start3A_482 = arith.constant 0 : i32
        %dma_start3A_483 = arith.constant 0 : i32
        %dma_start3A_484 = tpu.memref_slice %arg17[%dma_start3A_482, %dma_start3A_483] : memref<10064x16xf32, #tpu.memory_space<vmem_shared>> -> memref<10064x16xf32, #tpu.memory_space<vmem_shared>>
        tpu.enqueue_indirect_dma source(%arg15 : memref<96x16xf32, #tpu.memory_space<vmem>>) target(%dma_start3A_484 : memref<10064x16xf32, #tpu.memory_space<vmem_shared>>) offsets(%dma_start3A_481 : memref<96xi32, #tpu.memory_space<vmem>>) semaphore(%arg26 : memref<!tpu.dma_semaphore, #tpu.memory_space<semaphore_mem>>) {add = true}
      } else {
      }
      %add3A_382 = arith.constant 3 : i32
      %add3A_383 = arith.addi %mul3A_287, %add3A_382 : i32
      %dma_wait3A_384 = arith.constant 0 : i32
      %dma_wait3A_385 = tpu.memref_slice %arg7[%add3A_383, %dma_wait3A_384] : memref<209x96xi32, #tpu.memory_space<vmem>> -> memref<1x96xi32, #tpu.memory_space<vmem>>
      %dma_wait3A_386 = tpu.memref_squeeze %dma_wait3A_385 : memref<1x96xi32, #tpu.memory_space<vmem>> -> memref<96xi32, #tpu.memory_space<vmem>>
      %dma_wait3A_387 = arith.constant 0 : i32
      %dma_wait3A_388 = arith.constant 0 : i32
      %dma_wait3A_389 = tpu.memref_slice %arg2[%dma_wait3A_387, %dma_wait3A_388] : memref<40000x64xf32, #tpu.memory_space<hbm>> -> memref<40000x64xf32, #tpu.memory_space<hbm>>
      tpu.wait_indirect_dma semaphore(%arg21 : memref<!tpu.dma_semaphore, #tpu.memory_space<semaphore_mem>>) src(%dma_wait3A_389 : memref<40000x64xf32, #tpu.memory_space<hbm>>) dst(%arg12 : memref<96x64xf32, #tpu.memory_space<vmem>>)
      %ge3A_390 = arith.constant 2 : i32
      %ge3A_391 = arith.cmpi sge, %add3A_383, %ge3A_390 : i32
      %convert_element_type3A_392 = arith.extui %ge3A_391 : i1 to i32
      %cond3A_393 = arith.constant 0 : i32
      %cond3A_394 = arith.cmpi ne, %convert_element_type3A_392, %cond3A_393 : i32
      scf.if %cond3A_394 {
        %sub3A = arith.constant 2 : i32
        %sub3A_479 = arith.subi %add3A_383, %sub3A : i32
        %rem3A_480 = arith.constant 2 : i32
        %rem3A_481 = arith.remsi %add3A_383, %rem3A_480 : i32
        %dma_wait3A_482 = arith.constant 0 : i32
        %dma_wait3A_483 = tpu.memref_slice %arg8[%sub3A_479, %dma_wait3A_482] : memref<209x96xi32, #tpu.memory_space<vmem>> -> memref<1x96xi32, #tpu.memory_space<vmem>>
        %dma_wait3A_484 = tpu.memref_squeeze %dma_wait3A_483 : memref<1x96xi32, #tpu.memory_space<vmem>> -> memref<96xi32, #tpu.memory_space<vmem>>
        %dma_wait3A_485 = arith.constant 0 : i32
        %dma_wait3A_486 = arith.constant 0 : i32
        %dma_wait3A_487 = tpu.memref_slice %arg16[%dma_wait3A_485, %dma_wait3A_486] : memref<10064x64xf32, #tpu.memory_space<vmem_shared>> -> memref<10064x64xf32, #tpu.memory_space<vmem_shared>>
        tpu.wait_indirect_dma semaphore(%arg25 : memref<!tpu.dma_semaphore, #tpu.memory_space<semaphore_mem>>) src(%arg10 : memref<96x64xf32, #tpu.memory_space<vmem>>) dst(%dma_wait3A_487 : memref<10064x64xf32, #tpu.memory_space<vmem_shared>>)
        %eq3A_488 = arith.cmpi eq, %arg0, %rem3A_481 : i32
        %convert_element_type3A_489 = arith.extui %eq3A_488 : i1 to i32
        %cond3A_490 = arith.constant 0 : i32
        %cond3A_491 = arith.cmpi ne, %convert_element_type3A_489, %cond3A_490 : i32
        scf.if %cond3A_491 {
          %dma_wait3A_492 = arith.constant 0 : i32
          %dma_wait3A_493 = tpu.memref_slice %arg8[%sub3A_479, %dma_wait3A_492] : memref<209x96xi32, #tpu.memory_space<vmem>> -> memref<1x96xi32, #tpu.memory_space<vmem>>
          %dma_wait3A_494 = tpu.memref_squeeze %dma_wait3A_493 : memref<1x96xi32, #tpu.memory_space<vmem>> -> memref<96xi32, #tpu.memory_space<vmem>>
          %dma_wait3A_495 = arith.constant 0 : i32
          %dma_wait3A_496 = arith.constant 0 : i32
          %dma_wait3A_497 = tpu.memref_slice %arg17[%dma_wait3A_495, %dma_wait3A_496] : memref<10064x16xf32, #tpu.memory_space<vmem_shared>> -> memref<10064x16xf32, #tpu.memory_space<vmem_shared>>
          tpu.wait_indirect_dma semaphore(%arg25 : memref<!tpu.dma_semaphore, #tpu.memory_space<semaphore_mem>>) src(%arg15 : memref<96x16xf32, #tpu.memory_space<vmem>>) dst(%dma_wait3A_497 : memref<10064x16xf32, #tpu.memory_space<vmem_shared>>)
        } else {
        }
      } else {
      }
      %add3A_395 = arith.constant 4 : i32
      %add3A_396 = arith.addi %add3A_383, %add3A_395 : i32
      %lt3A_397 = arith.constant 209 : i32
      %lt3A_398 = arith.cmpi slt, %add3A_396, %lt3A_397 : i32
      %convert_element_type3A_399 = arith.extui %lt3A_398 : i1 to i32
      %cond3A_400 = arith.constant 0 : i32
      %cond3A_401 = arith.cmpi ne, %convert_element_type3A_399, %cond3A_400 : i32
      scf.if %cond3A_401 {
        %add3A_479 = arith.constant 4 : i32
        %add3A_480 = arith.addi %add3A_383, %add3A_479 : i32
        %dma_start3A_481 = arith.constant 0 : i32
        %dma_start3A_482 = tpu.memref_slice %arg7[%add3A_480, %dma_start3A_481] : memref<209x96xi32, #tpu.memory_space<vmem>> -> memref<1x96xi32, #tpu.memory_space<vmem>>
        %dma_start3A_483 = tpu.memref_squeeze %dma_start3A_482 : memref<1x96xi32, #tpu.memory_space<vmem>> -> memref<96xi32, #tpu.memory_space<vmem>>
        %dma_start3A_484 = arith.constant 0 : i32
        %dma_start3A_485 = arith.constant 0 : i32
        %dma_start3A_486 = tpu.memref_slice %arg2[%dma_start3A_484, %dma_start3A_485] : memref<40000x64xf32, #tpu.memory_space<hbm>> -> memref<40000x64xf32, #tpu.memory_space<hbm>>
        tpu.enqueue_indirect_dma source(%dma_start3A_486 : memref<40000x64xf32, #tpu.memory_space<hbm>>) target(%arg10 : memref<96x64xf32, #tpu.memory_space<vmem>>) offsets(%dma_start3A_483 : memref<96xi32, #tpu.memory_space<vmem>>) semaphore(%arg19 : memref<!tpu.dma_semaphore, #tpu.memory_space<semaphore_mem>>)
      } else {
      }
      %rem3A_402 = arith.constant 2 : i32
      %rem3A_403 = arith.remsi %add3A_383, %rem3A_402 : i32
      %dma_start3A_404 = arith.constant 0 : i32
      %dma_start3A_405 = tpu.memref_slice %arg8[%add3A_383, %dma_start3A_404] : memref<209x96xi32, #tpu.memory_space<vmem>> -> memref<1x96xi32, #tpu.memory_space<vmem>>
      %dma_start3A_406 = tpu.memref_squeeze %dma_start3A_405 : memref<1x96xi32, #tpu.memory_space<vmem>> -> memref<96xi32, #tpu.memory_space<vmem>>
      %dma_start3A_407 = arith.constant 0 : i32
      %dma_start3A_408 = arith.constant 0 : i32
      %dma_start3A_409 = tpu.memref_slice %arg16[%dma_start3A_407, %dma_start3A_408] : memref<10064x64xf32, #tpu.memory_space<vmem_shared>> -> memref<10064x64xf32, #tpu.memory_space<vmem_shared>>
      tpu.enqueue_indirect_dma source(%arg12 : memref<96x64xf32, #tpu.memory_space<vmem>>) target(%dma_start3A_409 : memref<10064x64xf32, #tpu.memory_space<vmem_shared>>) offsets(%dma_start3A_406 : memref<96xi32, #tpu.memory_space<vmem>>) semaphore(%arg27 : memref<!tpu.dma_semaphore, #tpu.memory_space<semaphore_mem>>) {add = true}
      %eq3A_410 = arith.cmpi eq, %arg0, %rem3A_403 : i32
      %convert_element_type3A_411 = arith.extui %eq3A_410 : i1 to i32
      %cond3A_412 = arith.constant 0 : i32
      %cond3A_413 = arith.cmpi ne, %convert_element_type3A_411, %cond3A_412 : i32
      scf.if %cond3A_413 {
        %dma_start3A_479 = arith.constant 0 : i32
        %dma_start3A_480 = tpu.memref_slice %arg8[%add3A_383, %dma_start3A_479] : memref<209x96xi32, #tpu.memory_space<vmem>> -> memref<1x96xi32, #tpu.memory_space<vmem>>
        %dma_start3A_481 = tpu.memref_squeeze %dma_start3A_480 : memref<1x96xi32, #tpu.memory_space<vmem>> -> memref<96xi32, #tpu.memory_space<vmem>>
        %dma_start3A_482 = arith.constant 0 : i32
        %dma_start3A_483 = arith.constant 0 : i32
        %dma_start3A_484 = tpu.memref_slice %arg17[%dma_start3A_482, %dma_start3A_483] : memref<10064x16xf32, #tpu.memory_space<vmem_shared>> -> memref<10064x16xf32, #tpu.memory_space<vmem_shared>>
        tpu.enqueue_indirect_dma source(%arg15 : memref<96x16xf32, #tpu.memory_space<vmem>>) target(%dma_start3A_484 : memref<10064x16xf32, #tpu.memory_space<vmem_shared>>) offsets(%dma_start3A_481 : memref<96xi32, #tpu.memory_space<vmem>>) semaphore(%arg27 : memref<!tpu.dma_semaphore, #tpu.memory_space<semaphore_mem>>) {add = true}
      } else {
      }
      %add3A_414 = arith.constant 4 : i32
      %add3A_415 = arith.addi %mul3A_287, %add3A_414 : i32
      %dma_wait3A_416 = arith.constant 0 : i32
      %dma_wait3A_417 = tpu.memref_slice %arg7[%add3A_415, %dma_wait3A_416] : memref<209x96xi32, #tpu.memory_space<vmem>> -> memref<1x96xi32, #tpu.memory_space<vmem>>
      %dma_wait3A_418 = tpu.memref_squeeze %dma_wait3A_417 : memref<1x96xi32, #tpu.memory_space<vmem>> -> memref<96xi32, #tpu.memory_space<vmem>>
      %dma_wait3A_419 = arith.constant 0 : i32
      %dma_wait3A_420 = arith.constant 0 : i32
      %dma_wait3A_421 = tpu.memref_slice %arg2[%dma_wait3A_419, %dma_wait3A_420] : memref<40000x64xf32, #tpu.memory_space<hbm>> -> memref<40000x64xf32, #tpu.memory_space<hbm>>
      tpu.wait_indirect_dma semaphore(%arg22 : memref<!tpu.dma_semaphore, #tpu.memory_space<semaphore_mem>>) src(%dma_wait3A_421 : memref<40000x64xf32, #tpu.memory_space<hbm>>) dst(%arg13 : memref<96x64xf32, #tpu.memory_space<vmem>>)
      %ge3A_422 = arith.constant 2 : i32
      %ge3A_423 = arith.cmpi sge, %add3A_415, %ge3A_422 : i32
      %convert_element_type3A_424 = arith.extui %ge3A_423 : i1 to i32
      %cond3A_425 = arith.constant 0 : i32
      %cond3A_426 = arith.cmpi ne, %convert_element_type3A_424, %cond3A_425 : i32
      scf.if %cond3A_426 {
        %sub3A = arith.constant 2 : i32
        %sub3A_479 = arith.subi %add3A_415, %sub3A : i32
        %rem3A_480 = arith.constant 2 : i32
        %rem3A_481 = arith.remsi %add3A_415, %rem3A_480 : i32
        %dma_wait3A_482 = arith.constant 0 : i32
        %dma_wait3A_483 = tpu.memref_slice %arg8[%sub3A_479, %dma_wait3A_482] : memref<209x96xi32, #tpu.memory_space<vmem>> -> memref<1x96xi32, #tpu.memory_space<vmem>>
        %dma_wait3A_484 = tpu.memref_squeeze %dma_wait3A_483 : memref<1x96xi32, #tpu.memory_space<vmem>> -> memref<96xi32, #tpu.memory_space<vmem>>
        %dma_wait3A_485 = arith.constant 0 : i32
        %dma_wait3A_486 = arith.constant 0 : i32
        %dma_wait3A_487 = tpu.memref_slice %arg16[%dma_wait3A_485, %dma_wait3A_486] : memref<10064x64xf32, #tpu.memory_space<vmem_shared>> -> memref<10064x64xf32, #tpu.memory_space<vmem_shared>>
        tpu.wait_indirect_dma semaphore(%arg26 : memref<!tpu.dma_semaphore, #tpu.memory_space<semaphore_mem>>) src(%arg11 : memref<96x64xf32, #tpu.memory_space<vmem>>) dst(%dma_wait3A_487 : memref<10064x64xf32, #tpu.memory_space<vmem_shared>>)
        %eq3A_488 = arith.cmpi eq, %arg0, %rem3A_481 : i32
        %convert_element_type3A_489 = arith.extui %eq3A_488 : i1 to i32
        %cond3A_490 = arith.constant 0 : i32
        %cond3A_491 = arith.cmpi ne, %convert_element_type3A_489, %cond3A_490 : i32
        scf.if %cond3A_491 {
          %dma_wait3A_492 = arith.constant 0 : i32
          %dma_wait3A_493 = tpu.memref_slice %arg8[%sub3A_479, %dma_wait3A_492] : memref<209x96xi32, #tpu.memory_space<vmem>> -> memref<1x96xi32, #tpu.memory_space<vmem>>
          %dma_wait3A_494 = tpu.memref_squeeze %dma_wait3A_493 : memref<1x96xi32, #tpu.memory_space<vmem>> -> memref<96xi32, #tpu.memory_space<vmem>>
          %dma_wait3A_495 = arith.constant 0 : i32
          %dma_wait3A_496 = arith.constant 0 : i32
          %dma_wait3A_497 = tpu.memref_slice %arg17[%dma_wait3A_495, %dma_wait3A_496] : memref<10064x16xf32, #tpu.memory_space<vmem_shared>> -> memref<10064x16xf32, #tpu.memory_space<vmem_shared>>
          tpu.wait_indirect_dma semaphore(%arg26 : memref<!tpu.dma_semaphore, #tpu.memory_space<semaphore_mem>>) src(%arg15 : memref<96x16xf32, #tpu.memory_space<vmem>>) dst(%dma_wait3A_497 : memref<10064x16xf32, #tpu.memory_space<vmem_shared>>)
        } else {
        }
      } else {
      }
      %add3A_427 = arith.constant 4 : i32
      %add3A_428 = arith.addi %add3A_415, %add3A_427 : i32
      %lt3A_429 = arith.constant 209 : i32
      %lt3A_430 = arith.cmpi slt, %add3A_428, %lt3A_429 : i32
      %convert_element_type3A_431 = arith.extui %lt3A_430 : i1 to i32
      %cond3A_432 = arith.constant 0 : i32
      %cond3A_433 = arith.cmpi ne, %convert_element_type3A_431, %cond3A_432 : i32
      scf.if %cond3A_433 {
        %add3A_479 = arith.constant 4 : i32
        %add3A_480 = arith.addi %add3A_415, %add3A_479 : i32
        %dma_start3A_481 = arith.constant 0 : i32
        %dma_start3A_482 = tpu.memref_slice %arg7[%add3A_480, %dma_start3A_481] : memref<209x96xi32, #tpu.memory_space<vmem>> -> memref<1x96xi32, #tpu.memory_space<vmem>>
        %dma_start3A_483 = tpu.memref_squeeze %dma_start3A_482 : memref<1x96xi32, #tpu.memory_space<vmem>> -> memref<96xi32, #tpu.memory_space<vmem>>
        %dma_start3A_484 = arith.constant 0 : i32
        %dma_start3A_485 = arith.constant 0 : i32
        %dma_start3A_486 = tpu.memref_slice %arg2[%dma_start3A_484, %dma_start3A_485] : memref<40000x64xf32, #tpu.memory_space<hbm>> -> memref<40000x64xf32, #tpu.memory_space<hbm>>
        tpu.enqueue_indirect_dma source(%dma_start3A_486 : memref<40000x64xf32, #tpu.memory_space<hbm>>) target(%arg11 : memref<96x64xf32, #tpu.memory_space<vmem>>) offsets(%dma_start3A_483 : memref<96xi32, #tpu.memory_space<vmem>>) semaphore(%arg20 : memref<!tpu.dma_semaphore, #tpu.memory_space<semaphore_mem>>)
      } else {
      }
      %rem3A_434 = arith.constant 2 : i32
      %rem3A_435 = arith.remsi %add3A_415, %rem3A_434 : i32
      %dma_start3A_436 = arith.constant 0 : i32
      %dma_start3A_437 = tpu.memref_slice %arg8[%add3A_415, %dma_start3A_436] : memref<209x96xi32, #tpu.memory_space<vmem>> -> memref<1x96xi32, #tpu.memory_space<vmem>>
      %dma_start3A_438 = tpu.memref_squeeze %dma_start3A_437 : memref<1x96xi32, #tpu.memory_space<vmem>> -> memref<96xi32, #tpu.memory_space<vmem>>
      %dma_start3A_439 = arith.constant 0 : i32
      %dma_start3A_440 = arith.constant 0 : i32
      %dma_start3A_441 = tpu.memref_slice %arg16[%dma_start3A_439, %dma_start3A_440] : memref<10064x64xf32, #tpu.memory_space<vmem_shared>> -> memref<10064x64xf32, #tpu.memory_space<vmem_shared>>
      tpu.enqueue_indirect_dma source(%arg13 : memref<96x64xf32, #tpu.memory_space<vmem>>) target(%dma_start3A_441 : memref<10064x64xf32, #tpu.memory_space<vmem_shared>>) offsets(%dma_start3A_438 : memref<96xi32, #tpu.memory_space<vmem>>) semaphore(%arg28 : memref<!tpu.dma_semaphore, #tpu.memory_space<semaphore_mem>>) {add = true}
      %eq3A_442 = arith.cmpi eq, %arg0, %rem3A_435 : i32
      %convert_element_type3A_443 = arith.extui %eq3A_442 : i1 to i32
      %cond3A_444 = arith.constant 0 : i32
      %cond3A_445 = arith.cmpi ne, %convert_element_type3A_443, %cond3A_444 : i32
      scf.if %cond3A_445 {
        %dma_start3A_479 = arith.constant 0 : i32
        %dma_start3A_480 = tpu.memref_slice %arg8[%add3A_415, %dma_start3A_479] : memref<209x96xi32, #tpu.memory_space<vmem>> -> memref<1x96xi32, #tpu.memory_space<vmem>>
        %dma_start3A_481 = tpu.memref_squeeze %dma_start3A_480 : memref<1x96xi32, #tpu.memory_space<vmem>> -> memref<96xi32, #tpu.memory_space<vmem>>
        %dma_start3A_482 = arith.constant 0 : i32
        %dma_start3A_483 = arith.constant 0 : i32
        %dma_start3A_484 = tpu.memref_slice %arg17[%dma_start3A_482, %dma_start3A_483] : memref<10064x16xf32, #tpu.memory_space<vmem_shared>> -> memref<10064x16xf32, #tpu.memory_space<vmem_shared>>
        tpu.enqueue_indirect_dma source(%arg15 : memref<96x16xf32, #tpu.memory_space<vmem>>) target(%dma_start3A_484 : memref<10064x16xf32, #tpu.memory_space<vmem_shared>>) offsets(%dma_start3A_481 : memref<96xi32, #tpu.memory_space<vmem>>) semaphore(%arg28 : memref<!tpu.dma_semaphore, #tpu.memory_space<semaphore_mem>>) {add = true}
      } else {
      }
      %add3A_446 = arith.constant 5 : i32
      %add3A_447 = arith.addi %mul3A_287, %add3A_446 : i32
      %dma_wait3A_448 = arith.constant 0 : i32
      %dma_wait3A_449 = tpu.memref_slice %arg7[%add3A_447, %dma_wait3A_448] : memref<209x96xi32, #tpu.memory_space<vmem>> -> memref<1x96xi32, #tpu.memory_space<vmem>>
      %dma_wait3A_450 = tpu.memref_squeeze %dma_wait3A_449 : memref<1x96xi32, #tpu.memory_space<vmem>> -> memref<96xi32, #tpu.memory_space<vmem>>
      %dma_wait3A_451 = arith.constant 0 : i32
      %dma_wait3A_452 = arith.constant 0 : i32
      %dma_wait3A_453 = tpu.memref_slice %arg2[%dma_wait3A_451, %dma_wait3A_452] : memref<40000x64xf32, #tpu.memory_space<hbm>> -> memref<40000x64xf32, #tpu.memory_space<hbm>>
      tpu.wait_indirect_dma semaphore(%arg23 : memref<!tpu.dma_semaphore, #tpu.memory_space<semaphore_mem>>) src(%dma_wait3A_453 : memref<40000x64xf32, #tpu.memory_space<hbm>>) dst(%arg14 : memref<96x64xf32, #tpu.memory_space<vmem>>)
      %ge3A_454 = arith.constant 2 : i32
      %ge3A_455 = arith.cmpi sge, %add3A_447, %ge3A_454 : i32
      %convert_element_type3A_456 = arith.extui %ge3A_455 : i1 to i32
      %cond3A_457 = arith.constant 0 : i32
      %cond3A_458 = arith.cmpi ne, %convert_element_type3A_456, %cond3A_457 : i32
      scf.if %cond3A_458 {
        %sub3A = arith.constant 2 : i32
        %sub3A_479 = arith.subi %add3A_447, %sub3A : i32
        %rem3A_480 = arith.constant 2 : i32
        %rem3A_481 = arith.remsi %add3A_447, %rem3A_480 : i32
        %dma_wait3A_482 = arith.constant 0 : i32
        %dma_wait3A_483 = tpu.memref_slice %arg8[%sub3A_479, %dma_wait3A_482] : memref<209x96xi32, #tpu.memory_space<vmem>> -> memref<1x96xi32, #tpu.memory_space<vmem>>
        %dma_wait3A_484 = tpu.memref_squeeze %dma_wait3A_483 : memref<1x96xi32, #tpu.memory_space<vmem>> -> memref<96xi32, #tpu.memory_space<vmem>>
        %dma_wait3A_485 = arith.constant 0 : i32
        %dma_wait3A_486 = arith.constant 0 : i32
        %dma_wait3A_487 = tpu.memref_slice %arg16[%dma_wait3A_485, %dma_wait3A_486] : memref<10064x64xf32, #tpu.memory_space<vmem_shared>> -> memref<10064x64xf32, #tpu.memory_space<vmem_shared>>
        tpu.wait_indirect_dma semaphore(%arg27 : memref<!tpu.dma_semaphore, #tpu.memory_space<semaphore_mem>>) src(%arg12 : memref<96x64xf32, #tpu.memory_space<vmem>>) dst(%dma_wait3A_487 : memref<10064x64xf32, #tpu.memory_space<vmem_shared>>)
        %eq3A_488 = arith.cmpi eq, %arg0, %rem3A_481 : i32
        %convert_element_type3A_489 = arith.extui %eq3A_488 : i1 to i32
        %cond3A_490 = arith.constant 0 : i32
        %cond3A_491 = arith.cmpi ne, %convert_element_type3A_489, %cond3A_490 : i32
        scf.if %cond3A_491 {
          %dma_wait3A_492 = arith.constant 0 : i32
          %dma_wait3A_493 = tpu.memref_slice %arg8[%sub3A_479, %dma_wait3A_492] : memref<209x96xi32, #tpu.memory_space<vmem>> -> memref<1x96xi32, #tpu.memory_space<vmem>>
          %dma_wait3A_494 = tpu.memref_squeeze %dma_wait3A_493 : memref<1x96xi32, #tpu.memory_space<vmem>> -> memref<96xi32, #tpu.memory_space<vmem>>
          %dma_wait3A_495 = arith.constant 0 : i32
          %dma_wait3A_496 = arith.constant 0 : i32
          %dma_wait3A_497 = tpu.memref_slice %arg17[%dma_wait3A_495, %dma_wait3A_496] : memref<10064x16xf32, #tpu.memory_space<vmem_shared>> -> memref<10064x16xf32, #tpu.memory_space<vmem_shared>>
          tpu.wait_indirect_dma semaphore(%arg27 : memref<!tpu.dma_semaphore, #tpu.memory_space<semaphore_mem>>) src(%arg15 : memref<96x16xf32, #tpu.memory_space<vmem>>) dst(%dma_wait3A_497 : memref<10064x16xf32, #tpu.memory_space<vmem_shared>>)
        } else {
        }
      } else {
      }
      %add3A_459 = arith.constant 4 : i32
      %add3A_460 = arith.addi %add3A_447, %add3A_459 : i32
      %lt3A_461 = arith.constant 209 : i32
      %lt3A_462 = arith.cmpi slt, %add3A_460, %lt3A_461 : i32
      %convert_element_type3A_463 = arith.extui %lt3A_462 : i1 to i32
      %cond3A_464 = arith.constant 0 : i32
      %cond3A_465 = arith.cmpi ne, %convert_element_type3A_463, %cond3A_464 : i32
      scf.if %cond3A_465 {
        %add3A_479 = arith.constant 4 : i32
        %add3A_480 = arith.addi %add3A_447, %add3A_479 : i32
        %dma_start3A_481 = arith.constant 0 : i32
        %dma_start3A_482 = tpu.memref_slice %arg7[%add3A_480, %dma_start3A_481] : memref<209x96xi32, #tpu.memory_space<vmem>> -> memref<1x96xi32, #tpu.memory_space<vmem>>
        %dma_start3A_483 = tpu.memref_squeeze %dma_start3A_482 : memref<1x96xi32, #tpu.memory_space<vmem>> -> memref<96xi32, #tpu.memory_space<vmem>>
        %dma_start3A_484 = arith.constant 0 : i32
        %dma_start3A_485 = arith.constant 0 : i32
        %dma_start3A_486 = tpu.memref_slice %arg2[%dma_start3A_484, %dma_start3A_485] : memref<40000x64xf32, #tpu.memory_space<hbm>> -> memref<40000x64xf32, #tpu.memory_space<hbm>>
        tpu.enqueue_indirect_dma source(%dma_start3A_486 : memref<40000x64xf32, #tpu.memory_space<hbm>>) target(%arg12 : memref<96x64xf32, #tpu.memory_space<vmem>>) offsets(%dma_start3A_483 : memref<96xi32, #tpu.memory_space<vmem>>) semaphore(%arg21 : memref<!tpu.dma_semaphore, #tpu.memory_space<semaphore_mem>>)
      } else {
      }
      %rem3A_466 = arith.constant 2 : i32
      %rem3A_467 = arith.remsi %add3A_447, %rem3A_466 : i32
      %dma_start3A_468 = arith.constant 0 : i32
      %dma_start3A_469 = tpu.memref_slice %arg8[%add3A_447, %dma_start3A_468] : memref<209x96xi32, #tpu.memory_space<vmem>> -> memref<1x96xi32, #tpu.memory_space<vmem>>
      %dma_start3A_470 = tpu.memref_squeeze %dma_start3A_469 : memref<1x96xi32, #tpu.memory_space<vmem>> -> memref<96xi32, #tpu.memory_space<vmem>>
      %dma_start3A_471 = arith.constant 0 : i32
      %dma_start3A_472 = arith.constant 0 : i32
      %dma_start3A_473 = tpu.memref_slice %arg16[%dma_start3A_471, %dma_start3A_472] : memref<10064x64xf32, #tpu.memory_space<vmem_shared>> -> memref<10064x64xf32, #tpu.memory_space<vmem_shared>>
      tpu.enqueue_indirect_dma source(%arg14 : memref<96x64xf32, #tpu.memory_space<vmem>>) target(%dma_start3A_473 : memref<10064x64xf32, #tpu.memory_space<vmem_shared>>) offsets(%dma_start3A_470 : memref<96xi32, #tpu.memory_space<vmem>>) semaphore(%arg29 : memref<!tpu.dma_semaphore, #tpu.memory_space<semaphore_mem>>) {add = true}
      %eq3A_474 = arith.cmpi eq, %arg0, %rem3A_467 : i32
      %convert_element_type3A_475 = arith.extui %eq3A_474 : i1 to i32
      %cond3A_476 = arith.constant 0 : i32
      %cond3A_477 = arith.cmpi ne, %convert_element_type3A_475, %cond3A_476 : i32
      scf.if %cond3A_477 {
        %dma_start3A_479 = arith.constant 0 : i32
        %dma_start3A_480 = tpu.memref_slice %arg8[%add3A_447, %dma_start3A_479] : memref<209x96xi32, #tpu.memory_space<vmem>> -> memref<1x96xi32, #tpu.memory_space<vmem>>
        %dma_start3A_481 = tpu.memref_squeeze %dma_start3A_480 : memref<1x96xi32, #tpu.memory_space<vmem>> -> memref<96xi32, #tpu.memory_space<vmem>>
        %dma_start3A_482 = arith.constant 0 : i32
        %dma_start3A_483 = arith.constant 0 : i32
        %dma_start3A_484 = tpu.memref_slice %arg17[%dma_start3A_482, %dma_start3A_483] : memref<10064x16xf32, #tpu.memory_space<vmem_shared>> -> memref<10064x16xf32, #tpu.memory_space<vmem_shared>>
        tpu.enqueue_indirect_dma source(%arg15 : memref<96x16xf32, #tpu.memory_space<vmem>>) target(%dma_start3A_484 : memref<10064x16xf32, #tpu.memory_space<vmem_shared>>) offsets(%dma_start3A_481 : memref<96xi32, #tpu.memory_space<vmem>>) semaphore(%arg29 : memref<!tpu.dma_semaphore, #tpu.memory_space<semaphore_mem>>) {add = true}
      } else {
      }
      %scan3A_478 = arith.constant 0 : i32
      scf.yield %scan3A_478 : i32
    }
    %scan3A_98 = arith.constant 34 : i32
    %dma_wait3A = arith.constant 204 : i32
    %dma_wait3A_99 = arith.constant 0 : i32
    %dma_wait3A_100 = tpu.memref_slice %arg7[%dma_wait3A, %dma_wait3A_99] : memref<209x96xi32, #tpu.memory_space<vmem>> -> memref<1x96xi32, #tpu.memory_space<vmem>>
    %dma_wait3A_101 = tpu.memref_squeeze %dma_wait3A_100 : memref<1x96xi32, #tpu.memory_space<vmem>> -> memref<96xi32, #tpu.memory_space<vmem>>
    %dma_wait3A_102 = arith.constant 0 : i32
    %dma_wait3A_103 = arith.constant 0 : i32
    %dma_wait3A_104 = tpu.memref_slice %arg2[%dma_wait3A_102, %dma_wait3A_103] : memref<40000x64xf32, #tpu.memory_space<hbm>> -> memref<40000x64xf32, #tpu.memory_space<hbm>>
    tpu.wait_indirect_dma semaphore(%arg18 : memref<!tpu.dma_semaphore, #tpu.memory_space<semaphore_mem>>) src(%dma_wait3A_104 : memref<40000x64xf32, #tpu.memory_space<hbm>>) dst(%arg9 : memref<96x64xf32, #tpu.memory_space<vmem>>)
    %dma_wait3A_105 = arith.constant 202 : i32
    %dma_wait3A_106 = arith.constant 0 : i32
    %dma_wait3A_107 = tpu.memref_slice %arg8[%dma_wait3A_105, %dma_wait3A_106] : memref<209x96xi32, #tpu.memory_space<vmem>> -> memref<1x96xi32, #tpu.memory_space<vmem>>
    %dma_wait3A_108 = tpu.memref_squeeze %dma_wait3A_107 : memref<1x96xi32, #tpu.memory_space<vmem>> -> memref<96xi32, #tpu.memory_space<vmem>>
    %dma_wait3A_109 = arith.constant 0 : i32
    %dma_wait3A_110 = arith.constant 0 : i32
    %dma_wait3A_111 = tpu.memref_slice %arg16[%dma_wait3A_109, %dma_wait3A_110] : memref<10064x64xf32, #tpu.memory_space<vmem_shared>> -> memref<10064x64xf32, #tpu.memory_space<vmem_shared>>
    tpu.wait_indirect_dma semaphore(%arg28 : memref<!tpu.dma_semaphore, #tpu.memory_space<semaphore_mem>>) src(%arg13 : memref<96x64xf32, #tpu.memory_space<vmem>>) dst(%dma_wait3A_111 : memref<10064x64xf32, #tpu.memory_space<vmem_shared>>)
    %eq3A = arith.constant 0 : i32
    %eq3A_112 = arith.cmpi eq, %arg0, %eq3A : i32
    %convert_element_type3A = arith.extui %eq3A_112 : i1 to i32
    %cond3A = arith.constant 0 : i32
    %cond3A_113 = arith.cmpi ne, %convert_element_type3A, %cond3A : i32
    scf.if %cond3A_113 {
      %dma_wait3A_284 = arith.constant 202 : i32
      %dma_wait3A_285 = arith.constant 0 : i32
      %dma_wait3A_286 = tpu.memref_slice %arg8[%dma_wait3A_284, %dma_wait3A_285] : memref<209x96xi32, #tpu.memory_space<vmem>> -> memref<1x96xi32, #tpu.memory_space<vmem>>
      %dma_wait3A_287 = tpu.memref_squeeze %dma_wait3A_286 : memref<1x96xi32, #tpu.memory_space<vmem>> -> memref<96xi32, #tpu.memory_space<vmem>>
      %dma_wait3A_288 = arith.constant 0 : i32
      %dma_wait3A_289 = arith.constant 0 : i32
      %dma_wait3A_290 = tpu.memref_slice %arg17[%dma_wait3A_288, %dma_wait3A_289] : memref<10064x16xf32, #tpu.memory_space<vmem_shared>> -> memref<10064x16xf32, #tpu.memory_space<vmem_shared>>
      tpu.wait_indirect_dma semaphore(%arg28 : memref<!tpu.dma_semaphore, #tpu.memory_space<semaphore_mem>>) src(%arg15 : memref<96x16xf32, #tpu.memory_space<vmem>>) dst(%dma_wait3A_290 : memref<10064x16xf32, #tpu.memory_space<vmem_shared>>)
    } else {
    }
    %dma_start3A_114 = arith.constant 208 : i32
    %dma_start3A_115 = arith.constant 0 : i32
    %dma_start3A_116 = tpu.memref_slice %arg7[%dma_start3A_114, %dma_start3A_115] : memref<209x96xi32, #tpu.memory_space<vmem>> -> memref<1x96xi32, #tpu.memory_space<vmem>>
    %dma_start3A_117 = tpu.memref_squeeze %dma_start3A_116 : memref<1x96xi32, #tpu.memory_space<vmem>> -> memref<96xi32, #tpu.memory_space<vmem>>
    %dma_start3A_118 = arith.constant 0 : i32
    %dma_start3A_119 = arith.constant 0 : i32
    %dma_start3A_120 = tpu.memref_slice %arg2[%dma_start3A_118, %dma_start3A_119] : memref<40000x64xf32, #tpu.memory_space<hbm>> -> memref<40000x64xf32, #tpu.memory_space<hbm>>
    tpu.enqueue_indirect_dma source(%dma_start3A_120 : memref<40000x64xf32, #tpu.memory_space<hbm>>) target(%arg13 : memref<96x64xf32, #tpu.memory_space<vmem>>) offsets(%dma_start3A_117 : memref<96xi32, #tpu.memory_space<vmem>>) semaphore(%arg22 : memref<!tpu.dma_semaphore, #tpu.memory_space<semaphore_mem>>)
    %dma_start3A_121 = arith.constant 204 : i32
    %dma_start3A_122 = arith.constant 0 : i32
    %dma_start3A_123 = tpu.memref_slice %arg8[%dma_start3A_121, %dma_start3A_122] : memref<209x96xi32, #tpu.memory_space<vmem>> -> memref<1x96xi32, #tpu.memory_space<vmem>>
    %dma_start3A_124 = tpu.memref_squeeze %dma_start3A_123 : memref<1x96xi32, #tpu.memory_space<vmem>> -> memref<96xi32, #tpu.memory_space<vmem>>
    %dma_start3A_125 = arith.constant 0 : i32
    %dma_start3A_126 = arith.constant 0 : i32
    %dma_start3A_127 = tpu.memref_slice %arg16[%dma_start3A_125, %dma_start3A_126] : memref<10064x64xf32, #tpu.memory_space<vmem_shared>> -> memref<10064x64xf32, #tpu.memory_space<vmem_shared>>
    tpu.enqueue_indirect_dma source(%arg9 : memref<96x64xf32, #tpu.memory_space<vmem>>) target(%dma_start3A_127 : memref<10064x64xf32, #tpu.memory_space<vmem_shared>>) offsets(%dma_start3A_124 : memref<96xi32, #tpu.memory_space<vmem>>) semaphore(%arg24 : memref<!tpu.dma_semaphore, #tpu.memory_space<semaphore_mem>>) {add = true}
    %eq3A_128 = arith.constant 0 : i32
    %eq3A_129 = arith.cmpi eq, %arg0, %eq3A_128 : i32
    %convert_element_type3A_130 = arith.extui %eq3A_129 : i1 to i32
    %cond3A_131 = arith.constant 0 : i32
    %cond3A_132 = arith.cmpi ne, %convert_element_type3A_130, %cond3A_131 : i32
    scf.if %cond3A_132 {
      %dma_start3A_284 = arith.constant 204 : i32
      %dma_start3A_285 = arith.constant 0 : i32
      %dma_start3A_286 = tpu.memref_slice %arg8[%dma_start3A_284, %dma_start3A_285] : memref<209x96xi32, #tpu.memory_space<vmem>> -> memref<1x96xi32, #tpu.memory_space<vmem>>
      %dma_start3A_287 = tpu.memref_squeeze %dma_start3A_286 : memref<1x96xi32, #tpu.memory_space<vmem>> -> memref<96xi32, #tpu.memory_space<vmem>>
      %dma_start3A_288 = arith.constant 0 : i32
      %dma_start3A_289 = arith.constant 0 : i32
      %dma_start3A_290 = tpu.memref_slice %arg17[%dma_start3A_288, %dma_start3A_289] : memref<10064x16xf32, #tpu.memory_space<vmem_shared>> -> memref<10064x16xf32, #tpu.memory_space<vmem_shared>>
      tpu.enqueue_indirect_dma source(%arg15 : memref<96x16xf32, #tpu.memory_space<vmem>>) target(%dma_start3A_290 : memref<10064x16xf32, #tpu.memory_space<vmem_shared>>) offsets(%dma_start3A_287 : memref<96xi32, #tpu.memory_space<vmem>>) semaphore(%arg24 : memref<!tpu.dma_semaphore, #tpu.memory_space<semaphore_mem>>) {add = true}
    } else {
    }
    %dma_wait3A_133 = arith.constant 205 : i32
    %dma_wait3A_134 = arith.constant 0 : i32
    %dma_wait3A_135 = tpu.memref_slice %arg7[%dma_wait3A_133, %dma_wait3A_134] : memref<209x96xi32, #tpu.memory_space<vmem>> -> memref<1x96xi32, #tpu.memory_space<vmem>>
    %dma_wait3A_136 = tpu.memref_squeeze %dma_wait3A_135 : memref<1x96xi32, #tpu.memory_space<vmem>> -> memref<96xi32, #tpu.memory_space<vmem>>
    %dma_wait3A_137 = arith.constant 0 : i32
    %dma_wait3A_138 = arith.constant 0 : i32
    %dma_wait3A_139 = tpu.memref_slice %arg2[%dma_wait3A_137, %dma_wait3A_138] : memref<40000x64xf32, #tpu.memory_space<hbm>> -> memref<40000x64xf32, #tpu.memory_space<hbm>>
    tpu.wait_indirect_dma semaphore(%arg19 : memref<!tpu.dma_semaphore, #tpu.memory_space<semaphore_mem>>) src(%dma_wait3A_139 : memref<40000x64xf32, #tpu.memory_space<hbm>>) dst(%arg10 : memref<96x64xf32, #tpu.memory_space<vmem>>)
    %dma_wait3A_140 = arith.constant 203 : i32
    %dma_wait3A_141 = arith.constant 0 : i32
    %dma_wait3A_142 = tpu.memref_slice %arg8[%dma_wait3A_140, %dma_wait3A_141] : memref<209x96xi32, #tpu.memory_space<vmem>> -> memref<1x96xi32, #tpu.memory_space<vmem>>
    %dma_wait3A_143 = tpu.memref_squeeze %dma_wait3A_142 : memref<1x96xi32, #tpu.memory_space<vmem>> -> memref<96xi32, #tpu.memory_space<vmem>>
    %dma_wait3A_144 = arith.constant 0 : i32
    %dma_wait3A_145 = arith.constant 0 : i32
    %dma_wait3A_146 = tpu.memref_slice %arg16[%dma_wait3A_144, %dma_wait3A_145] : memref<10064x64xf32, #tpu.memory_space<vmem_shared>> -> memref<10064x64xf32, #tpu.memory_space<vmem_shared>>
    tpu.wait_indirect_dma semaphore(%arg29 : memref<!tpu.dma_semaphore, #tpu.memory_space<semaphore_mem>>) src(%arg14 : memref<96x64xf32, #tpu.memory_space<vmem>>) dst(%dma_wait3A_146 : memref<10064x64xf32, #tpu.memory_space<vmem_shared>>)
    %eq3A_147 = arith.constant 1 : i32
    %eq3A_148 = arith.cmpi eq, %arg0, %eq3A_147 : i32
    %convert_element_type3A_149 = arith.extui %eq3A_148 : i1 to i32
    %cond3A_150 = arith.constant 0 : i32
    %cond3A_151 = arith.cmpi ne, %convert_element_type3A_149, %cond3A_150 : i32
    scf.if %cond3A_151 {
      %dma_wait3A_284 = arith.constant 203 : i32
      %dma_wait3A_285 = arith.constant 0 : i32
      %dma_wait3A_286 = tpu.memref_slice %arg8[%dma_wait3A_284, %dma_wait3A_285] : memref<209x96xi32, #tpu.memory_space<vmem>> -> memref<1x96xi32, #tpu.memory_space<vmem>>
      %dma_wait3A_287 = tpu.memref_squeeze %dma_wait3A_286 : memref<1x96xi32, #tpu.memory_space<vmem>> -> memref<96xi32, #tpu.memory_space<vmem>>
      %dma_wait3A_288 = arith.constant 0 : i32
      %dma_wait3A_289 = arith.constant 0 : i32
      %dma_wait3A_290 = tpu.memref_slice %arg17[%dma_wait3A_288, %dma_wait3A_289] : memref<10064x16xf32, #tpu.memory_space<vmem_shared>> -> memref<10064x16xf32, #tpu.memory_space<vmem_shared>>
      tpu.wait_indirect_dma semaphore(%arg29 : memref<!tpu.dma_semaphore, #tpu.memory_space<semaphore_mem>>) src(%arg15 : memref<96x16xf32, #tpu.memory_space<vmem>>) dst(%dma_wait3A_290 : memref<10064x16xf32, #tpu.memory_space<vmem_shared>>)
    } else {
    }
    %dma_start3A_152 = arith.constant 205 : i32
    %dma_start3A_153 = arith.constant 0 : i32
    %dma_start3A_154 = tpu.memref_slice %arg8[%dma_start3A_152, %dma_start3A_153] : memref<209x96xi32, #tpu.memory_space<vmem>> -> memref<1x96xi32, #tpu.memory_space<vmem>>
    %dma_start3A_155 = tpu.memref_squeeze %dma_start3A_154 : memref<1x96xi32, #tpu.memory_space<vmem>> -> memref<96xi32, #tpu.memory_space<vmem>>
    %dma_start3A_156 = arith.constant 0 : i32
    %dma_start3A_157 = arith.constant 0 : i32
    %dma_start3A_158 = tpu.memref_slice %arg16[%dma_start3A_156, %dma_start3A_157] : memref<10064x64xf32, #tpu.memory_space<vmem_shared>> -> memref<10064x64xf32, #tpu.memory_space<vmem_shared>>
    tpu.enqueue_indirect_dma source(%arg10 : memref<96x64xf32, #tpu.memory_space<vmem>>) target(%dma_start3A_158 : memref<10064x64xf32, #tpu.memory_space<vmem_shared>>) offsets(%dma_start3A_155 : memref<96xi32, #tpu.memory_space<vmem>>) semaphore(%arg25 : memref<!tpu.dma_semaphore, #tpu.memory_space<semaphore_mem>>) {add = true}
    %eq3A_159 = arith.constant 1 : i32
    %eq3A_160 = arith.cmpi eq, %arg0, %eq3A_159 : i32
    %convert_element_type3A_161 = arith.extui %eq3A_160 : i1 to i32
    %cond3A_162 = arith.constant 0 : i32
    %cond3A_163 = arith.cmpi ne, %convert_element_type3A_161, %cond3A_162 : i32
    scf.if %cond3A_163 {
      %dma_start3A_284 = arith.constant 205 : i32
      %dma_start3A_285 = arith.constant 0 : i32
      %dma_start3A_286 = tpu.memref_slice %arg8[%dma_start3A_284, %dma_start3A_285] : memref<209x96xi32, #tpu.memory_space<vmem>> -> memref<1x96xi32, #tpu.memory_space<vmem>>
      %dma_start3A_287 = tpu.memref_squeeze %dma_start3A_286 : memref<1x96xi32, #tpu.memory_space<vmem>> -> memref<96xi32, #tpu.memory_space<vmem>>
      %dma_start3A_288 = arith.constant 0 : i32
      %dma_start3A_289 = arith.constant 0 : i32
      %dma_start3A_290 = tpu.memref_slice %arg17[%dma_start3A_288, %dma_start3A_289] : memref<10064x16xf32, #tpu.memory_space<vmem_shared>> -> memref<10064x16xf32, #tpu.memory_space<vmem_shared>>
      tpu.enqueue_indirect_dma source(%arg15 : memref<96x16xf32, #tpu.memory_space<vmem>>) target(%dma_start3A_290 : memref<10064x16xf32, #tpu.memory_space<vmem_shared>>) offsets(%dma_start3A_287 : memref<96xi32, #tpu.memory_space<vmem>>) semaphore(%arg25 : memref<!tpu.dma_semaphore, #tpu.memory_space<semaphore_mem>>) {add = true}
    } else {
    }
    %dma_wait3A_164 = arith.constant 206 : i32
    %dma_wait3A_165 = arith.constant 0 : i32
    %dma_wait3A_166 = tpu.memref_slice %arg7[%dma_wait3A_164, %dma_wait3A_165] : memref<209x96xi32, #tpu.memory_space<vmem>> -> memref<1x96xi32, #tpu.memory_space<vmem>>
    %dma_wait3A_167 = tpu.memref_squeeze %dma_wait3A_166 : memref<1x96xi32, #tpu.memory_space<vmem>> -> memref<96xi32, #tpu.memory_space<vmem>>
    %dma_wait3A_168 = arith.constant 0 : i32
    %dma_wait3A_169 = arith.constant 0 : i32
    %dma_wait3A_170 = tpu.memref_slice %arg2[%dma_wait3A_168, %dma_wait3A_169] : memref<40000x64xf32, #tpu.memory_space<hbm>> -> memref<40000x64xf32, #tpu.memory_space<hbm>>
    tpu.wait_indirect_dma semaphore(%arg20 : memref<!tpu.dma_semaphore, #tpu.memory_space<semaphore_mem>>) src(%dma_wait3A_170 : memref<40000x64xf32, #tpu.memory_space<hbm>>) dst(%arg11 : memref<96x64xf32, #tpu.memory_space<vmem>>)
    %dma_wait3A_171 = arith.constant 204 : i32
    %dma_wait3A_172 = arith.constant 0 : i32
    %dma_wait3A_173 = tpu.memref_slice %arg8[%dma_wait3A_171, %dma_wait3A_172] : memref<209x96xi32, #tpu.memory_space<vmem>> -> memref<1x96xi32, #tpu.memory_space<vmem>>
    %dma_wait3A_174 = tpu.memref_squeeze %dma_wait3A_173 : memref<1x96xi32, #tpu.memory_space<vmem>> -> memref<96xi32, #tpu.memory_space<vmem>>
    %dma_wait3A_175 = arith.constant 0 : i32
    %dma_wait3A_176 = arith.constant 0 : i32
    %dma_wait3A_177 = tpu.memref_slice %arg16[%dma_wait3A_175, %dma_wait3A_176] : memref<10064x64xf32, #tpu.memory_space<vmem_shared>> -> memref<10064x64xf32, #tpu.memory_space<vmem_shared>>
    tpu.wait_indirect_dma semaphore(%arg24 : memref<!tpu.dma_semaphore, #tpu.memory_space<semaphore_mem>>) src(%arg9 : memref<96x64xf32, #tpu.memory_space<vmem>>) dst(%dma_wait3A_177 : memref<10064x64xf32, #tpu.memory_space<vmem_shared>>)
    %eq3A_178 = arith.constant 0 : i32
    %eq3A_179 = arith.cmpi eq, %arg0, %eq3A_178 : i32
    %convert_element_type3A_180 = arith.extui %eq3A_179 : i1 to i32
    %cond3A_181 = arith.constant 0 : i32
    %cond3A_182 = arith.cmpi ne, %convert_element_type3A_180, %cond3A_181 : i32
    scf.if %cond3A_182 {
      %dma_wait3A_284 = arith.constant 204 : i32
      %dma_wait3A_285 = arith.constant 0 : i32
      %dma_wait3A_286 = tpu.memref_slice %arg8[%dma_wait3A_284, %dma_wait3A_285] : memref<209x96xi32, #tpu.memory_space<vmem>> -> memref<1x96xi32, #tpu.memory_space<vmem>>
      %dma_wait3A_287 = tpu.memref_squeeze %dma_wait3A_286 : memref<1x96xi32, #tpu.memory_space<vmem>> -> memref<96xi32, #tpu.memory_space<vmem>>
      %dma_wait3A_288 = arith.constant 0 : i32
      %dma_wait3A_289 = arith.constant 0 : i32
      %dma_wait3A_290 = tpu.memref_slice %arg17[%dma_wait3A_288, %dma_wait3A_289] : memref<10064x16xf32, #tpu.memory_space<vmem_shared>> -> memref<10064x16xf32, #tpu.memory_space<vmem_shared>>
      tpu.wait_indirect_dma semaphore(%arg24 : memref<!tpu.dma_semaphore, #tpu.memory_space<semaphore_mem>>) src(%arg15 : memref<96x16xf32, #tpu.memory_space<vmem>>) dst(%dma_wait3A_290 : memref<10064x16xf32, #tpu.memory_space<vmem_shared>>)
    } else {
    }
    %dma_start3A_183 = arith.constant 206 : i32
    %dma_start3A_184 = arith.constant 0 : i32
    %dma_start3A_185 = tpu.memref_slice %arg8[%dma_start3A_183, %dma_start3A_184] : memref<209x96xi32, #tpu.memory_space<vmem>> -> memref<1x96xi32, #tpu.memory_space<vmem>>
    %dma_start3A_186 = tpu.memref_squeeze %dma_start3A_185 : memref<1x96xi32, #tpu.memory_space<vmem>> -> memref<96xi32, #tpu.memory_space<vmem>>
    %dma_start3A_187 = arith.constant 0 : i32
    %dma_start3A_188 = arith.constant 0 : i32
    %dma_start3A_189 = tpu.memref_slice %arg16[%dma_start3A_187, %dma_start3A_188] : memref<10064x64xf32, #tpu.memory_space<vmem_shared>> -> memref<10064x64xf32, #tpu.memory_space<vmem_shared>>
    tpu.enqueue_indirect_dma source(%arg11 : memref<96x64xf32, #tpu.memory_space<vmem>>) target(%dma_start3A_189 : memref<10064x64xf32, #tpu.memory_space<vmem_shared>>) offsets(%dma_start3A_186 : memref<96xi32, #tpu.memory_space<vmem>>) semaphore(%arg26 : memref<!tpu.dma_semaphore, #tpu.memory_space<semaphore_mem>>) {add = true}
    %eq3A_190 = arith.constant 0 : i32
    %eq3A_191 = arith.cmpi eq, %arg0, %eq3A_190 : i32
    %convert_element_type3A_192 = arith.extui %eq3A_191 : i1 to i32
    %cond3A_193 = arith.constant 0 : i32
    %cond3A_194 = arith.cmpi ne, %convert_element_type3A_192, %cond3A_193 : i32
    scf.if %cond3A_194 {
      %dma_start3A_284 = arith.constant 206 : i32
      %dma_start3A_285 = arith.constant 0 : i32
      %dma_start3A_286 = tpu.memref_slice %arg8[%dma_start3A_284, %dma_start3A_285] : memref<209x96xi32, #tpu.memory_space<vmem>> -> memref<1x96xi32, #tpu.memory_space<vmem>>
      %dma_start3A_287 = tpu.memref_squeeze %dma_start3A_286 : memref<1x96xi32, #tpu.memory_space<vmem>> -> memref<96xi32, #tpu.memory_space<vmem>>
      %dma_start3A_288 = arith.constant 0 : i32
      %dma_start3A_289 = arith.constant 0 : i32
      %dma_start3A_290 = tpu.memref_slice %arg17[%dma_start3A_288, %dma_start3A_289] : memref<10064x16xf32, #tpu.memory_space<vmem_shared>> -> memref<10064x16xf32, #tpu.memory_space<vmem_shared>>
      tpu.enqueue_indirect_dma source(%arg15 : memref<96x16xf32, #tpu.memory_space<vmem>>) target(%dma_start3A_290 : memref<10064x16xf32, #tpu.memory_space<vmem_shared>>) offsets(%dma_start3A_287 : memref<96xi32, #tpu.memory_space<vmem>>) semaphore(%arg26 : memref<!tpu.dma_semaphore, #tpu.memory_space<semaphore_mem>>) {add = true}
    } else {
    }
    %dma_wait3A_195 = arith.constant 207 : i32
    %dma_wait3A_196 = arith.constant 0 : i32
    %dma_wait3A_197 = tpu.memref_slice %arg7[%dma_wait3A_195, %dma_wait3A_196] : memref<209x96xi32, #tpu.memory_space<vmem>> -> memref<1x96xi32, #tpu.memory_space<vmem>>
    %dma_wait3A_198 = tpu.memref_squeeze %dma_wait3A_197 : memref<1x96xi32, #tpu.memory_space<vmem>> -> memref<96xi32, #tpu.memory_space<vmem>>
    %dma_wait3A_199 = arith.constant 0 : i32
    %dma_wait3A_200 = arith.constant 0 : i32
    %dma_wait3A_201 = tpu.memref_slice %arg2[%dma_wait3A_199, %dma_wait3A_200] : memref<40000x64xf32, #tpu.memory_space<hbm>> -> memref<40000x64xf32, #tpu.memory_space<hbm>>
    tpu.wait_indirect_dma semaphore(%arg21 : memref<!tpu.dma_semaphore, #tpu.memory_space<semaphore_mem>>) src(%dma_wait3A_201 : memref<40000x64xf32, #tpu.memory_space<hbm>>) dst(%arg12 : memref<96x64xf32, #tpu.memory_space<vmem>>)
    %dma_wait3A_202 = arith.constant 205 : i32
    %dma_wait3A_203 = arith.constant 0 : i32
    %dma_wait3A_204 = tpu.memref_slice %arg8[%dma_wait3A_202, %dma_wait3A_203] : memref<209x96xi32, #tpu.memory_space<vmem>> -> memref<1x96xi32, #tpu.memory_space<vmem>>
    %dma_wait3A_205 = tpu.memref_squeeze %dma_wait3A_204 : memref<1x96xi32, #tpu.memory_space<vmem>> -> memref<96xi32, #tpu.memory_space<vmem>>
    %dma_wait3A_206 = arith.constant 0 : i32
    %dma_wait3A_207 = arith.constant 0 : i32
    %dma_wait3A_208 = tpu.memref_slice %arg16[%dma_wait3A_206, %dma_wait3A_207] : memref<10064x64xf32, #tpu.memory_space<vmem_shared>> -> memref<10064x64xf32, #tpu.memory_space<vmem_shared>>
    tpu.wait_indirect_dma semaphore(%arg25 : memref<!tpu.dma_semaphore, #tpu.memory_space<semaphore_mem>>) src(%arg10 : memref<96x64xf32, #tpu.memory_space<vmem>>) dst(%dma_wait3A_208 : memref<10064x64xf32, #tpu.memory_space<vmem_shared>>)
    %eq3A_209 = arith.constant 1 : i32
    %eq3A_210 = arith.cmpi eq, %arg0, %eq3A_209 : i32
    %convert_element_type3A_211 = arith.extui %eq3A_210 : i1 to i32
    %cond3A_212 = arith.constant 0 : i32
    %cond3A_213 = arith.cmpi ne, %convert_element_type3A_211, %cond3A_212 : i32
    scf.if %cond3A_213 {
      %dma_wait3A_284 = arith.constant 205 : i32
      %dma_wait3A_285 = arith.constant 0 : i32
      %dma_wait3A_286 = tpu.memref_slice %arg8[%dma_wait3A_284, %dma_wait3A_285] : memref<209x96xi32, #tpu.memory_space<vmem>> -> memref<1x96xi32, #tpu.memory_space<vmem>>
      %dma_wait3A_287 = tpu.memref_squeeze %dma_wait3A_286 : memref<1x96xi32, #tpu.memory_space<vmem>> -> memref<96xi32, #tpu.memory_space<vmem>>
      %dma_wait3A_288 = arith.constant 0 : i32
      %dma_wait3A_289 = arith.constant 0 : i32
      %dma_wait3A_290 = tpu.memref_slice %arg17[%dma_wait3A_288, %dma_wait3A_289] : memref<10064x16xf32, #tpu.memory_space<vmem_shared>> -> memref<10064x16xf32, #tpu.memory_space<vmem_shared>>
      tpu.wait_indirect_dma semaphore(%arg25 : memref<!tpu.dma_semaphore, #tpu.memory_space<semaphore_mem>>) src(%arg15 : memref<96x16xf32, #tpu.memory_space<vmem>>) dst(%dma_wait3A_290 : memref<10064x16xf32, #tpu.memory_space<vmem_shared>>)
    } else {
    }
    %dma_start3A_214 = arith.constant 207 : i32
    %dma_start3A_215 = arith.constant 0 : i32
    %dma_start3A_216 = tpu.memref_slice %arg8[%dma_start3A_214, %dma_start3A_215] : memref<209x96xi32, #tpu.memory_space<vmem>> -> memref<1x96xi32, #tpu.memory_space<vmem>>
    %dma_start3A_217 = tpu.memref_squeeze %dma_start3A_216 : memref<1x96xi32, #tpu.memory_space<vmem>> -> memref<96xi32, #tpu.memory_space<vmem>>
    %dma_start3A_218 = arith.constant 0 : i32
    %dma_start3A_219 = arith.constant 0 : i32
    %dma_start3A_220 = tpu.memref_slice %arg16[%dma_start3A_218, %dma_start3A_219] : memref<10064x64xf32, #tpu.memory_space<vmem_shared>> -> memref<10064x64xf32, #tpu.memory_space<vmem_shared>>
    tpu.enqueue_indirect_dma source(%arg12 : memref<96x64xf32, #tpu.memory_space<vmem>>) target(%dma_start3A_220 : memref<10064x64xf32, #tpu.memory_space<vmem_shared>>) offsets(%dma_start3A_217 : memref<96xi32, #tpu.memory_space<vmem>>) semaphore(%arg27 : memref<!tpu.dma_semaphore, #tpu.memory_space<semaphore_mem>>) {add = true}
    %eq3A_221 = arith.constant 1 : i32
    %eq3A_222 = arith.cmpi eq, %arg0, %eq3A_221 : i32
    %convert_element_type3A_223 = arith.extui %eq3A_222 : i1 to i32
    %cond3A_224 = arith.constant 0 : i32
    %cond3A_225 = arith.cmpi ne, %convert_element_type3A_223, %cond3A_224 : i32
    scf.if %cond3A_225 {
      %dma_start3A_284 = arith.constant 207 : i32
      %dma_start3A_285 = arith.constant 0 : i32
      %dma_start3A_286 = tpu.memref_slice %arg8[%dma_start3A_284, %dma_start3A_285] : memref<209x96xi32, #tpu.memory_space<vmem>> -> memref<1x96xi32, #tpu.memory_space<vmem>>
      %dma_start3A_287 = tpu.memref_squeeze %dma_start3A_286 : memref<1x96xi32, #tpu.memory_space<vmem>> -> memref<96xi32, #tpu.memory_space<vmem>>
      %dma_start3A_288 = arith.constant 0 : i32
      %dma_start3A_289 = arith.constant 0 : i32
      %dma_start3A_290 = tpu.memref_slice %arg17[%dma_start3A_288, %dma_start3A_289] : memref<10064x16xf32, #tpu.memory_space<vmem_shared>> -> memref<10064x16xf32, #tpu.memory_space<vmem_shared>>
      tpu.enqueue_indirect_dma source(%arg15 : memref<96x16xf32, #tpu.memory_space<vmem>>) target(%dma_start3A_290 : memref<10064x16xf32, #tpu.memory_space<vmem_shared>>) offsets(%dma_start3A_287 : memref<96xi32, #tpu.memory_space<vmem>>) semaphore(%arg27 : memref<!tpu.dma_semaphore, #tpu.memory_space<semaphore_mem>>) {add = true}
    } else {
    }
    %dma_wait3A_226 = arith.constant 208 : i32
    %dma_wait3A_227 = arith.constant 0 : i32
    %dma_wait3A_228 = tpu.memref_slice %arg7[%dma_wait3A_226, %dma_wait3A_227] : memref<209x96xi32, #tpu.memory_space<vmem>> -> memref<1x96xi32, #tpu.memory_space<vmem>>
    %dma_wait3A_229 = tpu.memref_squeeze %dma_wait3A_228 : memref<1x96xi32, #tpu.memory_space<vmem>> -> memref<96xi32, #tpu.memory_space<vmem>>
    %dma_wait3A_230 = arith.constant 0 : i32
    %dma_wait3A_231 = arith.constant 0 : i32
    %dma_wait3A_232 = tpu.memref_slice %arg2[%dma_wait3A_230, %dma_wait3A_231] : memref<40000x64xf32, #tpu.memory_space<hbm>> -> memref<40000x64xf32, #tpu.memory_space<hbm>>
    tpu.wait_indirect_dma semaphore(%arg22 : memref<!tpu.dma_semaphore, #tpu.memory_space<semaphore_mem>>) src(%dma_wait3A_232 : memref<40000x64xf32, #tpu.memory_space<hbm>>) dst(%arg13 : memref<96x64xf32, #tpu.memory_space<vmem>>)
    %dma_wait3A_233 = arith.constant 206 : i32
    %dma_wait3A_234 = arith.constant 0 : i32
    %dma_wait3A_235 = tpu.memref_slice %arg8[%dma_wait3A_233, %dma_wait3A_234] : memref<209x96xi32, #tpu.memory_space<vmem>> -> memref<1x96xi32, #tpu.memory_space<vmem>>
    %dma_wait3A_236 = tpu.memref_squeeze %dma_wait3A_235 : memref<1x96xi32, #tpu.memory_space<vmem>> -> memref<96xi32, #tpu.memory_space<vmem>>
    %dma_wait3A_237 = arith.constant 0 : i32
    %dma_wait3A_238 = arith.constant 0 : i32
    %dma_wait3A_239 = tpu.memref_slice %arg16[%dma_wait3A_237, %dma_wait3A_238] : memref<10064x64xf32, #tpu.memory_space<vmem_shared>> -> memref<10064x64xf32, #tpu.memory_space<vmem_shared>>
    tpu.wait_indirect_dma semaphore(%arg26 : memref<!tpu.dma_semaphore, #tpu.memory_space<semaphore_mem>>) src(%arg11 : memref<96x64xf32, #tpu.memory_space<vmem>>) dst(%dma_wait3A_239 : memref<10064x64xf32, #tpu.memory_space<vmem_shared>>)
    %eq3A_240 = arith.constant 0 : i32
    %eq3A_241 = arith.cmpi eq, %arg0, %eq3A_240 : i32
    %convert_element_type3A_242 = arith.extui %eq3A_241 : i1 to i32
    %cond3A_243 = arith.constant 0 : i32
    %cond3A_244 = arith.cmpi ne, %convert_element_type3A_242, %cond3A_243 : i32
    scf.if %cond3A_244 {
      %dma_wait3A_284 = arith.constant 206 : i32
      %dma_wait3A_285 = arith.constant 0 : i32
      %dma_wait3A_286 = tpu.memref_slice %arg8[%dma_wait3A_284, %dma_wait3A_285] : memref<209x96xi32, #tpu.memory_space<vmem>> -> memref<1x96xi32, #tpu.memory_space<vmem>>
      %dma_wait3A_287 = tpu.memref_squeeze %dma_wait3A_286 : memref<1x96xi32, #tpu.memory_space<vmem>> -> memref<96xi32, #tpu.memory_space<vmem>>
      %dma_wait3A_288 = arith.constant 0 : i32
      %dma_wait3A_289 = arith.constant 0 : i32
      %dma_wait3A_290 = tpu.memref_slice %arg17[%dma_wait3A_288, %dma_wait3A_289] : memref<10064x16xf32, #tpu.memory_space<vmem_shared>> -> memref<10064x16xf32, #tpu.memory_space<vmem_shared>>
      tpu.wait_indirect_dma semaphore(%arg26 : memref<!tpu.dma_semaphore, #tpu.memory_space<semaphore_mem>>) src(%arg15 : memref<96x16xf32, #tpu.memory_space<vmem>>) dst(%dma_wait3A_290 : memref<10064x16xf32, #tpu.memory_space<vmem_shared>>)
    } else {
    }
    %dma_start3A_245 = arith.constant 208 : i32
    %dma_start3A_246 = arith.constant 0 : i32
    %dma_start3A_247 = tpu.memref_slice %arg8[%dma_start3A_245, %dma_start3A_246] : memref<209x96xi32, #tpu.memory_space<vmem>> -> memref<1x96xi32, #tpu.memory_space<vmem>>
    %dma_start3A_248 = tpu.memref_squeeze %dma_start3A_247 : memref<1x96xi32, #tpu.memory_space<vmem>> -> memref<96xi32, #tpu.memory_space<vmem>>
    %dma_start3A_249 = arith.constant 0 : i32
    %dma_start3A_250 = arith.constant 0 : i32
    %dma_start3A_251 = tpu.memref_slice %arg16[%dma_start3A_249, %dma_start3A_250] : memref<10064x64xf32, #tpu.memory_space<vmem_shared>> -> memref<10064x64xf32, #tpu.memory_space<vmem_shared>>
    tpu.enqueue_indirect_dma source(%arg13 : memref<96x64xf32, #tpu.memory_space<vmem>>) target(%dma_start3A_251 : memref<10064x64xf32, #tpu.memory_space<vmem_shared>>) offsets(%dma_start3A_248 : memref<96xi32, #tpu.memory_space<vmem>>) semaphore(%arg28 : memref<!tpu.dma_semaphore, #tpu.memory_space<semaphore_mem>>) {add = true}
    %eq3A_252 = arith.constant 0 : i32
    %eq3A_253 = arith.cmpi eq, %arg0, %eq3A_252 : i32
    %convert_element_type3A_254 = arith.extui %eq3A_253 : i1 to i32
    %cond3A_255 = arith.constant 0 : i32
    %cond3A_256 = arith.cmpi ne, %convert_element_type3A_254, %cond3A_255 : i32
    scf.if %cond3A_256 {
      %dma_start3A_284 = arith.constant 208 : i32
      %dma_start3A_285 = arith.constant 0 : i32
      %dma_start3A_286 = tpu.memref_slice %arg8[%dma_start3A_284, %dma_start3A_285] : memref<209x96xi32, #tpu.memory_space<vmem>> -> memref<1x96xi32, #tpu.memory_space<vmem>>
      %dma_start3A_287 = tpu.memref_squeeze %dma_start3A_286 : memref<1x96xi32, #tpu.memory_space<vmem>> -> memref<96xi32, #tpu.memory_space<vmem>>
      %dma_start3A_288 = arith.constant 0 : i32
      %dma_start3A_289 = arith.constant 0 : i32
      %dma_start3A_290 = tpu.memref_slice %arg17[%dma_start3A_288, %dma_start3A_289] : memref<10064x16xf32, #tpu.memory_space<vmem_shared>> -> memref<10064x16xf32, #tpu.memory_space<vmem_shared>>
      tpu.enqueue_indirect_dma source(%arg15 : memref<96x16xf32, #tpu.memory_space<vmem>>) target(%dma_start3A_290 : memref<10064x16xf32, #tpu.memory_space<vmem_shared>>) offsets(%dma_start3A_287 : memref<96xi32, #tpu.memory_space<vmem>>) semaphore(%arg28 : memref<!tpu.dma_semaphore, #tpu.memory_space<semaphore_mem>>) {add = true}
    } else {
    }
    %dma_wait3A_257 = arith.constant 207 : i32
    %dma_wait3A_258 = arith.constant 0 : i32
    %dma_wait3A_259 = tpu.memref_slice %arg8[%dma_wait3A_257, %dma_wait3A_258] : memref<209x96xi32, #tpu.memory_space<vmem>> -> memref<1x96xi32, #tpu.memory_space<vmem>>
    %dma_wait3A_260 = tpu.memref_squeeze %dma_wait3A_259 : memref<1x96xi32, #tpu.memory_space<vmem>> -> memref<96xi32, #tpu.memory_space<vmem>>
    %dma_wait3A_261 = arith.constant 0 : i32
    %dma_wait3A_262 = arith.constant 0 : i32
    %dma_wait3A_263 = tpu.memref_slice %arg16[%dma_wait3A_261, %dma_wait3A_262] : memref<10064x64xf32, #tpu.memory_space<vmem_shared>> -> memref<10064x64xf32, #tpu.memory_space<vmem_shared>>
    tpu.wait_indirect_dma semaphore(%arg27 : memref<!tpu.dma_semaphore, #tpu.memory_space<semaphore_mem>>) src(%arg12 : memref<96x64xf32, #tpu.memory_space<vmem>>) dst(%dma_wait3A_263 : memref<10064x64xf32, #tpu.memory_space<vmem_shared>>)
    %eq3A_264 = arith.constant 1 : i32
    %eq3A_265 = arith.cmpi eq, %arg0, %eq3A_264 : i32
    %convert_element_type3A_266 = arith.extui %eq3A_265 : i1 to i32
    %cond3A_267 = arith.constant 0 : i32
    %cond3A_268 = arith.cmpi ne, %convert_element_type3A_266, %cond3A_267 : i32
    scf.if %cond3A_268 {
      %dma_wait3A_284 = arith.constant 207 : i32
      %dma_wait3A_285 = arith.constant 0 : i32
      %dma_wait3A_286 = tpu.memref_slice %arg8[%dma_wait3A_284, %dma_wait3A_285] : memref<209x96xi32, #tpu.memory_space<vmem>> -> memref<1x96xi32, #tpu.memory_space<vmem>>
      %dma_wait3A_287 = tpu.memref_squeeze %dma_wait3A_286 : memref<1x96xi32, #tpu.memory_space<vmem>> -> memref<96xi32, #tpu.memory_space<vmem>>
      %dma_wait3A_288 = arith.constant 0 : i32
      %dma_wait3A_289 = arith.constant 0 : i32
      %dma_wait3A_290 = tpu.memref_slice %arg17[%dma_wait3A_288, %dma_wait3A_289] : memref<10064x16xf32, #tpu.memory_space<vmem_shared>> -> memref<10064x16xf32, #tpu.memory_space<vmem_shared>>
      tpu.wait_indirect_dma semaphore(%arg27 : memref<!tpu.dma_semaphore, #tpu.memory_space<semaphore_mem>>) src(%arg15 : memref<96x16xf32, #tpu.memory_space<vmem>>) dst(%dma_wait3A_290 : memref<10064x16xf32, #tpu.memory_space<vmem_shared>>)
    } else {
    }
    %dma_wait3A_269 = arith.constant 208 : i32
    %dma_wait3A_270 = arith.constant 0 : i32
    %dma_wait3A_271 = tpu.memref_slice %arg8[%dma_wait3A_269, %dma_wait3A_270] : memref<209x96xi32, #tpu.memory_space<vmem>> -> memref<1x96xi32, #tpu.memory_space<vmem>>
    %dma_wait3A_272 = tpu.memref_squeeze %dma_wait3A_271 : memref<1x96xi32, #tpu.memory_space<vmem>> -> memref<96xi32, #tpu.memory_space<vmem>>
    %dma_wait3A_273 = arith.constant 0 : i32
    %dma_wait3A_274 = arith.constant 0 : i32
    %dma_wait3A_275 = tpu.memref_slice %arg16[%dma_wait3A_273, %dma_wait3A_274] : memref<10064x64xf32, #tpu.memory_space<vmem_shared>> -> memref<10064x64xf32, #tpu.memory_space<vmem_shared>>
    tpu.wait_indirect_dma semaphore(%arg28 : memref<!tpu.dma_semaphore, #tpu.memory_space<semaphore_mem>>) src(%arg13 : memref<96x64xf32, #tpu.memory_space<vmem>>) dst(%dma_wait3A_275 : memref<10064x64xf32, #tpu.memory_space<vmem_shared>>)
    %eq3A_276 = arith.constant 0 : i32
    %eq3A_277 = arith.cmpi eq, %arg0, %eq3A_276 : i32
    %convert_element_type3A_278 = arith.extui %eq3A_277 : i1 to i32
    %cond3A_279 = arith.constant 0 : i32
    %cond3A_280 = arith.cmpi ne, %convert_element_type3A_278, %cond3A_279 : i32
    scf.if %cond3A_280 {
      %dma_wait3A_284 = arith.constant 208 : i32
      %dma_wait3A_285 = arith.constant 0 : i32
      %dma_wait3A_286 = tpu.memref_slice %arg8[%dma_wait3A_284, %dma_wait3A_285] : memref<209x96xi32, #tpu.memory_space<vmem>> -> memref<1x96xi32, #tpu.memory_space<vmem>>
      %dma_wait3A_287 = tpu.memref_squeeze %dma_wait3A_286 : memref<1x96xi32, #tpu.memory_space<vmem>> -> memref<96xi32, #tpu.memory_space<vmem>>
      %dma_wait3A_288 = arith.constant 0 : i32
      %dma_wait3A_289 = arith.constant 0 : i32
      %dma_wait3A_290 = tpu.memref_slice %arg17[%dma_wait3A_288, %dma_wait3A_289] : memref<10064x16xf32, #tpu.memory_space<vmem_shared>> -> memref<10064x16xf32, #tpu.memory_space<vmem_shared>>
      tpu.wait_indirect_dma semaphore(%arg28 : memref<!tpu.dma_semaphore, #tpu.memory_space<semaphore_mem>>) src(%arg15 : memref<96x16xf32, #tpu.memory_space<vmem>>) dst(%dma_wait3A_290 : memref<10064x16xf32, #tpu.memory_space<vmem_shared>>)
    } else {
    }
    %barrier3A_281 = arith.constant 0 : index
    tpu.barrier barrier_id(%barrier3A_281)
    %mul3A_282 = arith.constant 625 : i32
    %mul3A_283 = arith.muli %arg1, %mul3A_282 : i32
    "tpu.region"() ({
      %run_scoped3A = tpu.sem_alloc : memref<!tpu.dma_semaphore, #tpu.memory_space<semaphore_mem>>
      %dma_start3A_284 = arith.constant 0 : i32
      %dma_start3A_285 = tpu.memref_slice %arg5[%arg0, %mul3A_283, %dma_start3A_284] : memref<2x10000x64xf32, #tpu.memory_space<hbm>> -> memref<1x625x64xf32, #tpu.memory_space<hbm>>
      %dma_start3A_286 = tpu.memref_squeeze %dma_start3A_285 : memref<1x625x64xf32, #tpu.memory_space<hbm>> -> memref<625x64xf32, #tpu.memory_space<hbm>>
      %dma_start3A_287 = arith.constant 0 : i32
      %dma_start3A_288 = tpu.memref_slice %arg16[%mul3A_283, %dma_start3A_287] : memref<10064x64xf32, #tpu.memory_space<vmem_shared>> -> memref<625x64xf32, #tpu.memory_space<vmem_shared>>
      tpu.enqueue_dma source(%dma_start3A_288 : memref<625x64xf32, #tpu.memory_space<vmem_shared>>) target(%dma_start3A_286 : memref<625x64xf32, #tpu.memory_space<hbm>>) target_semaphore(%run_scoped3A : memref<!tpu.dma_semaphore, #tpu.memory_space<semaphore_mem>>)
      %dma_wait3A_289 = arith.constant 0 : i32
      %dma_wait3A_290 = tpu.memref_slice %arg5[%arg0, %mul3A_283, %dma_wait3A_289] : memref<2x10000x64xf32, #tpu.memory_space<hbm>> -> memref<1x625x64xf32, #tpu.memory_space<hbm>>
      %dma_wait3A_291 = tpu.memref_squeeze %dma_wait3A_290 : memref<1x625x64xf32, #tpu.memory_space<hbm>> -> memref<625x64xf32, #tpu.memory_space<hbm>>
      %dma_wait3A_292 = arith.constant 0 : i32
      %dma_wait3A_293 = tpu.memref_slice %arg16[%mul3A_283, %dma_wait3A_292] : memref<10064x64xf32, #tpu.memory_space<vmem_shared>> -> memref<625x64xf32, #tpu.memory_space<vmem_shared>>
      tpu.wait_dma2 semaphore(%run_scoped3A : memref<!tpu.dma_semaphore, #tpu.memory_space<semaphore_mem>>) src(%dma_wait3A_293 : memref<625x64xf32, #tpu.memory_space<vmem_shared>>) dst(%dma_wait3A_291 : memref<625x64xf32, #tpu.memory_space<hbm>>)
      tpu.yield
    }) : () -> ()
    "tpu.region"() ({
      %run_scoped3A = tpu.sem_alloc : memref<!tpu.dma_semaphore, #tpu.memory_space<semaphore_mem>>
      %dma_start3A_284 = arith.constant 0 : i32
      %dma_start3A_285 = tpu.memref_slice %arg6[%arg0, %mul3A_283, %dma_start3A_284] : memref<2x10000x16xf32, #tpu.memory_space<hbm>> -> memref<1x625x16xf32, #tpu.memory_space<hbm>>
      %dma_start3A_286 = tpu.memref_squeeze %dma_start3A_285 : memref<1x625x16xf32, #tpu.memory_space<hbm>> -> memref<625x16xf32, #tpu.memory_space<hbm>>
      %dma_start3A_287 = arith.constant 0 : i32
      %dma_start3A_288 = tpu.memref_slice %arg17[%mul3A_283, %dma_start3A_287] : memref<10064x16xf32, #tpu.memory_space<vmem_shared>> -> memref<625x16xf32, #tpu.memory_space<vmem_shared>>
      tpu.enqueue_dma source(%dma_start3A_288 : memref<625x16xf32, #tpu.memory_space<vmem_shared>>) target(%dma_start3A_286 : memref<625x16xf32, #tpu.memory_space<hbm>>) target_semaphore(%run_scoped3A : memref<!tpu.dma_semaphore, #tpu.memory_space<semaphore_mem>>)
      %dma_wait3A_289 = arith.constant 0 : i32
      %dma_wait3A_290 = tpu.memref_slice %arg6[%arg0, %mul3A_283, %dma_wait3A_289] : memref<2x10000x16xf32, #tpu.memory_space<hbm>> -> memref<1x625x16xf32, #tpu.memory_space<hbm>>
      %dma_wait3A_291 = tpu.memref_squeeze %dma_wait3A_290 : memref<1x625x16xf32, #tpu.memory_space<hbm>> -> memref<625x16xf32, #tpu.memory_space<hbm>>
      %dma_wait3A_292 = arith.constant 0 : i32
      %dma_wait3A_293 = tpu.memref_slice %arg17[%mul3A_283, %dma_wait3A_292] : memref<10064x16xf32, #tpu.memory_space<vmem_shared>> -> memref<625x16xf32, #tpu.memory_space<vmem_shared>>
      tpu.wait_dma2 semaphore(%run_scoped3A : memref<!tpu.dma_semaphore, #tpu.memory_space<semaphore_mem>>) src(%dma_wait3A_293 : memref<625x16xf32, #tpu.memory_space<vmem_shared>>) dst(%dma_wait3A_291 : memref<625x16xf32, #tpu.memory_space<hbm>>)
      tpu.yield
    }) : () -> ()
    return
  }
}

module attributes {stable_mosaic.version = 14 : i64} {
  func.func @_matmul_body(%arg0: i32, %arg1: memref<1000x128xf32, #tpu.memory_space<vmem>>, %arg2: memref<256x128xf32, #tpu.memory_space<vmem>>, %arg3: memref<8x256xf32, #tpu.memory_space<vmem>>, %arg4: memref<2x1000x128xf32, #tpu.memory_space<vmem>>) attributes {dimension_semantics = [#tpu.dimension_semantics<arbitrary>], iteration_bounds = array<i64: 10>, scalar_prefetch = 0 : i64, scratch_operands = 0 : i64, tpu.core_type = #tpu.core_type<tc>, window_params = [{transform_indices = @transform_0, window_bounds = array<i64: 1000, 128>}, {pipeline_mode = #tpu.pipeline_mode<synchronous>, transform_indices = @transform_1, window_bounds = array<i64: 256, 128>}, {pipeline_mode = #tpu.pipeline_mode<synchronous>, transform_indices = @transform_2, window_bounds = array<i64: 8, 256>}, {transform_indices = @transform_3, window_bounds = array<i64: 2, 1000, 128>}]} {
    %get3A = arith.constant 0 : index
    %get3A_0 = arith.constant 0 : index
    %get3A_1 = vector.load %arg1[%get3A, %get3A_0] : memref<1000x128xf32, #tpu.memory_space<vmem>>, vector<1000x128xf32>
    %get3A_2 = arith.constant 0 : index
    %get3A_3 = arith.constant 0 : index
    %get3A_4 = vector.load %arg2[%get3A_2, %get3A_3] : memref<256x128xf32, #tpu.memory_space<vmem>>, vector<256x128xf32>
    %dot_general3A = arith.constant dense<0.000000e+00> : vector<1000x256xf32>
    %dot_general3A_5 = tpu.matmul %get3A_1, %get3A_4, %dot_general3A {dimension_numbers = #tpu.dot_dimension_numbers<[1], [1], [0], [0], [0, 0, 1, 0], [], []>, transpose_lhs_hint = false} : vector<1000x128xf32>, vector<256x128xf32>, vector<1000x256xf32> -> vector<1000x256xf32>
    %get3A_6 = arith.constant 0 : index
    %get3A_7 = arith.constant 0 : index
    %get3A_8 = vector.load %arg3[%get3A_6, %get3A_7] : memref<8x256xf32, #tpu.memory_space<vmem>>, vector<1x256xf32>
    %add3A = vector.broadcast %get3A_8 : vector<1x256xf32> to vector<1000x256xf32>
    %add3A_9 = arith.addf %dot_general3A_5, %add3A : vector<1000x256xf32>
    %slice3A = vector.extract_strided_slice %add3A_9 {offsets = [0, 0], sizes = [1000, 128], strides = [1, 1]} : vector<1000x256xf32> to vector<1000x128xf32>
    %swap3A = arith.constant 0 : index
    %swap3A_10 = arith.constant 0 : index
    %swap3A_11 = arith.constant 0 : index
    %swap3A_12 = vector.load %arg4[%swap3A, %swap3A_10, %swap3A_11] : memref<2x1000x128xf32, #tpu.memory_space<vmem>>, vector<1x1000x128xf32>
    %swap3A_13 = vector.shape_cast %swap3A_12 : vector<1x1000x128xf32> to vector<1000x128xf32>
    %swap3A_14 = vector.shape_cast %slice3A : vector<1000x128xf32> to vector<1x1000x128xf32>
    tpu.vector_store %arg4[%swap3A, %swap3A_10, %swap3A_11], %swap3A_14 {strides = array<i32>} : memref<2x1000x128xf32, #tpu.memory_space<vmem>>, vector<1x1000x128xf32>,
    %slice3A_15 = vector.extract_strided_slice %add3A_9 {offsets = [0, 128], sizes = [1000, 128], strides = [1, 1]} : vector<1000x256xf32> to vector<1000x128xf32>
    %swap3A_16 = arith.constant 1 : index
    %swap3A_17 = arith.constant 0 : index
    %swap3A_18 = arith.constant 0 : index
    %swap3A_19 = vector.load %arg4[%swap3A_16, %swap3A_17, %swap3A_18] : memref<2x1000x128xf32, #tpu.memory_space<vmem>>, vector<1x1000x128xf32>
    %swap3A_20 = vector.shape_cast %swap3A_19 : vector<1x1000x128xf32> to vector<1000x128xf32>
    %swap3A_21 = vector.shape_cast %slice3A_15 : vector<1000x128xf32> to vector<1x1000x128xf32>
    tpu.vector_store %arg4[%swap3A_16, %swap3A_17, %swap3A_18], %swap3A_21 {strides = array<i32>} : memref<2x1000x128xf32, #tpu.memory_space<vmem>>, vector<1x1000x128xf32>,
    return
  }
  func.func @transform_0(%arg0: i32) -> (i32, i32) {
    %c0_i32 = arith.constant 0 : i32
    %c0_i32_0 = arith.constant 0 : i32
    return %arg0, %c0_i32 : i32, i32
  }
  func.func @transform_1(%arg0: i32) -> (i32, i32) {
    %c0_i32 = arith.constant 0 : i32
    %c0_i32_0 = arith.constant 0 : i32
    %c0_i32_1 = arith.constant 0 : i32
    return %c0_i32, %c0_i32_0 : i32, i32
  }
  func.func @transform_2(%arg0: i32) -> (i32, i32) {
    %c0_i32 = arith.constant 0 : i32
    %c0_i32_0 = arith.constant 0 : i32
    %c0_i32_1 = arith.constant 0 : i32
    return %c0_i32, %c0_i32_0 : i32, i32
  }
  func.func @transform_3(%arg0: i32) -> (i32, i32, i32) {
    %c0_i32 = arith.constant 0 : i32
    %c0_i32_0 = arith.constant 0 : i32
    %c0_i32_1 = arith.constant 0 : i32
    return %c0_i32, %arg0, %c0_i32_0 : i32, i32, i32
  }
}

module attributes {stable_mosaic.version = 14 : i64} {
  func.func @_combine_body(%arg0: i32, %arg1: memref<2x1000x64xf32, #tpu.memory_space<vmem>>, %arg2: memref<2x1000x16xf32, #tpu.memory_space<vmem>>, %arg3: memref<1000x128xf32, #tpu.memory_space<vmem>>) attributes {dimension_semantics = [#tpu.dimension_semantics<arbitrary>], iteration_bounds = array<i64: 10>, scalar_prefetch = 0 : i64, scratch_operands = 0 : i64, tpu.core_type = #tpu.core_type<tc>, window_params = [{transform_indices = @transform_0, window_bounds = array<i64: 2, 1000, 64>}, {transform_indices = @transform_1, window_bounds = array<i64: 2, 1000, 16>}, {transform_indices = @transform_2, window_bounds = array<i64: 1000, 128>}]} {
    %get3A = arith.constant 0 : index
    %get3A_0 = arith.constant 0 : index
    %get3A_1 = arith.constant 0 : index
    %get3A_2 = vector.load %arg2[%get3A, %get3A_0, %get3A_1] : memref<2x1000x16xf32, #tpu.memory_space<vmem>>, vector<1x1000x1xf32>
    %get3A_3 = vector.shape_cast %get3A_2 : vector<1x1000x1xf32> to vector<1000x1xf32>
    %get3A_4 = arith.constant 1 : index
    %get3A_5 = arith.constant 0 : index
    %get3A_6 = arith.constant 0 : index
    %get3A_7 = vector.load %arg2[%get3A_4, %get3A_5, %get3A_6] : memref<2x1000x16xf32, #tpu.memory_space<vmem>>, vector<1x1000x1xf32>
    %get3A_8 = vector.shape_cast %get3A_7 : vector<1x1000x1xf32> to vector<1000x1xf32>
    %add3A = arith.addf %get3A_3, %get3A_8 : vector<1000x1xf32>
    %eq3A = arith.constant 0.000000e+00 : f32
    %eq3A_9 = vector.broadcast %eq3A : f32 to vector<1000x1xf32>
    %eq3A_10 = arith.cmpf oeq, %add3A, %eq3A_9 : vector<1000x1xf32>
    %jit3A = arith.constant 1.000000e+00 : f32
    %broadcast_in_dim3A = vector.broadcast %jit3A : f32 to vector<1000x1xf32>
    %select_n3A = arith.select %eq3A_10, %broadcast_in_dim3A, %add3A : vector<1000x1xi1>, vector<1000x1xf32>
    %get3A_11 = arith.constant 0 : index
    %get3A_12 = arith.constant 0 : index
    %get3A_13 = arith.constant 0 : index
    %get3A_14 = vector.load %arg1[%get3A_11, %get3A_12, %get3A_13] : memref<2x1000x64xf32, #tpu.memory_space<vmem>>, vector<1x1000x64xf32>
    %get3A_15 = vector.shape_cast %get3A_14 : vector<1x1000x64xf32> to vector<1000x64xf32>
    %div3A = vector.broadcast %select_n3A : vector<1000x1xf32> to vector<1000x64xf32>
    %div3A_16 = arith.divf %get3A_15, %div3A : vector<1000x64xf32>
    %add3A_17 = arith.constant 9.99999993E-9 : f32
    %add3A_18 = vector.broadcast %add3A_17 : f32 to vector<1000x64xf32>
    %add3A_19 = arith.addf %div3A_16, %add3A_18 : vector<1000x64xf32>
    %swap3A = arith.constant 0 : index
    %swap3A_20 = arith.constant 0 : index
    %swap3A_21 = vector.load %arg3[%swap3A, %swap3A_20] : memref<1000x128xf32, #tpu.memory_space<vmem>>, vector<1000x64xf32>
    tpu.vector_store %arg3[%swap3A, %swap3A_20], %add3A_19 {strides = array<i32>} : memref<1000x128xf32, #tpu.memory_space<vmem>>, vector<1000x64xf32>,
    %get3A_22 = arith.constant 1 : index
    %get3A_23 = arith.constant 0 : index
    %get3A_24 = arith.constant 0 : index
    %get3A_25 = vector.load %arg1[%get3A_22, %get3A_23, %get3A_24] : memref<2x1000x64xf32, #tpu.memory_space<vmem>>, vector<1x1000x64xf32>
    %get3A_26 = vector.shape_cast %get3A_25 : vector<1x1000x64xf32> to vector<1000x64xf32>
    %div3A_27 = vector.broadcast %select_n3A : vector<1000x1xf32> to vector<1000x64xf32>
    %div3A_28 = arith.divf %get3A_26, %div3A_27 : vector<1000x64xf32>
    %add3A_29 = arith.constant 9.99999993E-9 : f32
    %add3A_30 = vector.broadcast %add3A_29 : f32 to vector<1000x64xf32>
    %add3A_31 = arith.addf %div3A_28, %add3A_30 : vector<1000x64xf32>
    %swap3A_32 = arith.constant 0 : index
    %swap3A_33 = arith.constant 64 : index
    %swap3A_34 = vector.load %arg3[%swap3A_32, %swap3A_33] : memref<1000x128xf32, #tpu.memory_space<vmem>>, vector<1000x64xf32>
    tpu.vector_store %arg3[%swap3A_32, %swap3A_33], %add3A_31 {strides = array<i32>} : memref<1000x128xf32, #tpu.memory_space<vmem>>, vector<1000x64xf32>,
    return
  }
  func.func @transform_0(%arg0: i32) -> (i32, i32, i32) {
    %c0_i32 = arith.constant 0 : i32
    %c0_i32_0 = arith.constant 0 : i32
    %c0_i32_1 = arith.constant 0 : i32
    return %c0_i32, %arg0, %c0_i32_0 : i32, i32, i32
  }
  func.func @transform_1(%arg0: i32) -> (i32, i32, i32) {
    %c0_i32 = arith.constant 0 : i32
    %c0_i32_0 = arith.constant 0 : i32
    %c0_i32_1 = arith.constant 0 : i32
    return %c0_i32, %arg0, %c0_i32_0 : i32, i32, i32
  }
  func.func @transform_2(%arg0: i32) -> (i32, i32) {
    %c0_i32 = arith.constant 0 : i32
    %c0_i32_0 = arith.constant 0 : i32
    return %arg0, %c0_i32 : i32, i32
  }
}

</mosaic_0001>

<sc_bundles>
// kernel: kernel.5.cloned.1.call-start
scs
__scs_entry_jumppad:
0x0: {  	(pc) =	sbr.rel $0x88, $3  }
0x1: {  	(tag) =	ssettag $0x0;
	lr =	simm.s32 $0x1  }
0x2: {  	[smem:$0x3F9D] =	sst lr;
	_ =	strace $0xD0000000  }
0x3: {  	_ = 	snop  }
0x4: {  	_ = 	snop  }
0x5: {  	_ = 	snop  }
0x6: {  	_ = 	snop  }
0x7: {  	_ = 	snop  }
__scs_overlays_trampoline_lowered:
0x8: {  	[smem:$0x3FAC] =	sst s0  }
0x9: {  	[smem:$0x3FAD] =	sst s1  }
0xa: {  	[smem:$0x3FAE] =	sst s2  }
0xb: {  	[smem:$0x3FAF] =	sst s3  }
0xc: {  	[smem:$0x3FB0] =	sst s4  }
0xd: {  	[smem:$0x3FB1] =	sst s5  }
0xe: {  	[smem:$0x3FB2] =	sst s6  }
0xf: {  	[smem:$0x3FB3] =	sst s7  }
0x10: {  	[smem:$0x3FB4] =	sst s8  }
0x11: {  	[smem:$0x3FB5] =	sst s9;
	s0 =	simm.s32 @!p0 $0x0  }
0x12: {  	s1 =	sld [smem:$0x3F9B];
	s0 =	simm.s32 @p0 $0x1  }
0x13: {  	[smem:$0x3FB6] =	sst s0;
	s0 =	simm.s32 @!p1 $0x0  }
0x14: {  	s2 =	sld [smem:$0x3F9A];
	s0 =	simm.s32 @p1 $0x1  }
0x15: {  	[smem:$0x3FB7] =	sst s0;
	s0 =	simm.s32 @!p2 $0x0  }
0x16: {  	s3 =	sld [smem:$0x3FDB];
	s0 =	simm.s32 @p2 $0x1  }
0x17: {  	s4 =	simm.s32 $0x1BF5;
	[smem:$0x3FB9] =	sst s0  }
0x18: {  	s0 =	sld [smem:$0x3F9C];
	_ =	swait.ge [sflag:s4], $0x0  }
0x19: {  	s7 =	sld [smem:$0x3F9D]  }
0x1a: {  	s8 =	sadd.s32 $0xFFFFE003, lr  }
0x1b: {  	s9 =	sadd.s32 $0xFFFFFEF7, lr;
	s5 =	simm.s32 $0xFFFFFFFF;
	p2 =	slt.u32 s8, $0xFFFFF086  }
0x1c: {  	p1 =	slt.u32 s9, $0xF7A;
	s5 =	simm.s32 @!p2 $0x0  }
0x1d: {  	s5 =	simm.s32 @p1 $0x1;
	p0 =	seq.s32 s7, s2  }
0x1e: {  	s7 =	smul.u32 @!p0 $0xF7A, s2;
	p2 =	seq.s32 @!p0 s5, $0x0  }
0x1f: {  	s9 =	smul.u32 $0xF7A, s1;
	s8 =	simm.s32 @!p0 $0x1BF5;
	p2 =	por !p2, p0  }
0x20: {  	[sflag:s8] =	ssyncset.s32 @!p0 $0xFFFFF086;
	s6 =	sadd.s32 @!p0 s3, s7;
	s7 =	simm.s32 @!p0 $0x108  }
0x21: {  	s3 =	sadd.s32 s3, s9;
	s6 =	sadd.s32 @!p0 $0x88, s6;
	s7 =	simm.s32 @p2 $0x1082  }
0x22: {  	[simem:s7], [sflag:s8] =	dma.local @!p0 [hbm:s6], $0xF7A  }
0x23: {  	s9 =	sor.u32 $0xD0000000, s2;
	s6 =	simm.s32 $0x108;
	_ =	swait.ge @!p0 [sflag:s8], $0x0  }
0x24: {  	s3 =	sadd.s32 $0x88, s3;
	s6 =	simm.s32 @!p1 $0x1082;
	[sflag:s4] =	ssyncset.s32 $0xFFFFF086  }
0x25: {  	[simem:s6], [sflag:s4] =	dma.local [hbm:s3], $0xF7A  }
0x26: {  	[smem:$0x3F9D] =	sst s1;
	(tag) =	ssettag s2;
	_ =	strace s9  }
0x27: {  	s1 =	sld [smem:$0x3FAD]  }
0x28: {  	s2 =	sld [smem:$0x3FAE]  }
0x29: {  	s4 =	sld [smem:$0x3FB0]  }
0x2a: {  	p0 =	seq.s32 s5, $0x0;
	s5 =	sld [smem:$0x3FB1]  }
0x2b: {  	s6 =	sld [smem:$0x3FB2]  }
0x2c: {  	s7 =	sld [smem:$0x3FB3]  }
0x2d: {  	s3 =	simm.s32 $0x108;
	s8 =	sld [smem:$0x3FB4]  }
0x2e: {  	s3 =	simm.s32 @!p0 $0x1082;
	s9 =	sld [smem:$0x3FB5]  }
0x2f: {  	lr =	sadd.s32 s0, s3;
	s0 =	sld [smem:$0x3FAC]  }
0x30: {  	s3 =	sld [smem:$0x3FAF]  }
0x31: {  	[smem:$0x3FB8] =	sst s10  }
0x32: {  	s10 =	sld [smem:$0x3FB6];
	_ =	sdelay $0x3  }
0x33: {  	p0 =	seq.s32 s10, $0x1;
	s10 =	sld [smem:$0x3FB8];
	_ =	sdelay $0x3  }
0x34: {  	[smem:$0x3FB8] =	sst s10  }
0x35: {  	s10 =	sld [smem:$0x3FB7];
	_ =	sdelay $0x3  }
0x36: {  	p1 =	seq.s32 s10, $0x1;
	s10 =	sld [smem:$0x3FB8];
	_ =	sdelay $0x3  }
0x37: {  	[smem:$0x3FB8] =	sst s10  }
0x38: {  	s10 =	sld [smem:$0x3FB9]  }
0x39: {  	_ = 	snop;
	(pc) =	sbr.ind lr, $3  }
0x3a: {  	_ = 	snop  }
0x3b: {  	_ = 	snop  }
0x3c: {  	p2 =	seq.s32 s10, $0x1;
	s10 =	sld [smem:$0x3FB8]  }
0x3d: {  	_ =	shalt  }
0x3e: {  	_ =	shalt  }
0x3f: {  	_ =	shalt  }
0x40: {  	_ =	shalt  }
0x41: {  	_ =	shalt  }
0x42: {  	_ =	shalt  }
0x43: {  	_ =	shalt  }
0x44: {  	_ =	shalt  }
0x45: {  	_ =	shalt  }
0x46: {  	_ =	shalt  }
0x47: {  	_ =	shalt  }
0x48: {  	_ =	shalt  }
0x49: {  	_ =	shalt  }
0x4a: {  	_ =	shalt  }
0x4b: {  	_ =	shalt  }
0x4c: {  	_ =	shalt  }
0x4d: {  	_ =	shalt  }
0x4e: {  	_ =	shalt  }
0x4f: {  	_ =	shalt  }
0x50: {  	_ =	shalt  }
0x51: {  	_ =	shalt  }
0x52: {  	_ =	shalt  }
0x53: {  	_ =	shalt  }
0x54: {  	_ =	shalt  }
0x55: {  	_ =	shalt  }
0x56: {  	_ =	shalt  }
0x57: {  	_ =	shalt  }
0x58: {  	_ =	shalt  }
0x59: {  	_ =	shalt  }
0x5a: {  	_ =	shalt  }
0x5b: {  	_ =	shalt  }
0x5c: {  	_ =	shalt  }
0x5d: {  	_ =	shalt  }
0x5e: {  	_ =	shalt  }
0x5f: {  	_ =	shalt  }
0x60: {  	_ =	shalt  }
0x61: {  	_ =	shalt  }
0x62: {  	_ =	shalt  }
0x63: {  	_ =	shalt  }
0x64: {  	_ =	shalt  }
0x65: {  	_ =	shalt  }
0x66: {  	_ =	shalt  }
0x67: {  	_ =	shalt  }
0x68: {  	_ =	shalt  }
0x69: {  	_ =	shalt  }
0x6a: {  	_ =	shalt  }
0x6b: {  	_ =	shalt  }
0x6c: {  	_ =	shalt  }
0x6d: {  	_ =	shalt  }
0x6e: {  	_ =	shalt  }
0x6f: {  	_ =	shalt  }
0x70: {  	_ =	shalt  }
0x71: {  	_ =	shalt  }
0x72: {  	_ =	shalt  }
0x73: {  	_ =	shalt  }
0x74: {  	_ =	shalt  }
0x75: {  	_ =	shalt  }
0x76: {  	_ =	shalt  }
0x77: {  	_ =	shalt  }
0x78: {  	_ =	shalt  }
0x79: {  	_ =	shalt  }
0x7a: {  	_ =	shalt  }
0x7b: {  	_ =	shalt  }
0x7c: {  	_ =	shalt  }
0x7d: {  	_ =	shalt  }
0x7e: {  	_ =	shalt  }
0x7f: {  	_ =	shalt  }
0x80: {  	_ =	shalt  }
0x81: {  	_ =	shalt  }
0x82: {  	_ =	shalt  }
0x83: {  	_ =	shalt  }
0x84: {  	_ =	shalt  }
0x85: {  	_ =	shalt  }
0x86: {  	_ =	shalt  }
0x87: {  	_ =	shalt  }
.Lfunc_end0:
.L_simem_size_0:
called_computation_lowered:
.L_overlay_start_0:
0x88: {  	s2 =	sld [smem:$0x3FD9]  }
0x89: {  	s3 =	sld [smem:$0x3FFE];
	_ =	sdelay $0x1  }
0x8a: {  	s1 =	srdreg.scid  }
0x8b: {  	s0 =	sand.u32 $0x1, s1  }
0x8c: {  	s17 =	sshll.u32 s0, $0xA;
	s2 =	sadd.s32 s3, s2  }
0x8d: {  	s2 =	sadd.s32 s2, s17  }
0x8e: {  	[smem:$0x3FC4] =	sst s2  }
0x8f: {  	_ = 	snop  }
0x90: {  	s2 =	sld [smem:$0x3FD0];
	(tm) =	ssettm $0x1  }
0x91: {  	s18 =	sld [smem:$0x3FFB];
	_ =	sdelay $0x3  }
0x92: {  	_ =	strace s18  }
0x93: {  	s3 =	sld [smem:$0x3FFC];
	_ =	sdelay $0x3  }
0x94: {  	_ =	strace s3  }
0x95: {  	s3 =	sld [smem:$0x3FFD];
	_ =	sdelay $0x3  }
0x96: {  	_ =	strace s3  }
0x97: {  	_ =	strace $0x8FFFFFFF  }
0x98: {  	s19 =	sld [smem:$0x3FDB];
	_ =	sdelay $0x1  }
0x99: {  	s4 =	simm.s32 $_scs_section_size  }
0x9a: {  	s5 =	simm.s32 $_size__tile_overlayer_lowered;
	s6 =	simm.s32 $_tile_overlayer_lowered  }
0x9b: {  	s22 =	simm.s32 $0x1BFF;
	s21 =	sshll.u32 s6, $0x1;
	s3 =	sadd.s32 s4, s19  }
0x9c: {  	s7 =	simm.s32 $0x0;
	s20 =	sshll.u32 s5, $0x1;
	s5 =	sadd.s32 s21, s3  }
0x9d: {  	[timem:s7], [sflag:s22] =	dma.local [hbm:s5], s20  }
0x9e: {  	_ =	swait.ge [sflag:s22], s20  }
0x9f: {  	s4 =	ssub.s32 $0x0, s20;
	[sflag:s22] =	ssyncset.done $0x0  }
0xa0: {  	[sflag:s22] =	ssyncadd.s32 s4;
	_ =	sdelay $0x1  }
0xa1: {  	s23 =	simm.s32 $0x1B8B  }
0xa2: {  	_ =	swait.ge [sflag:s23], $0x1  }
0xa3: {  	[sflag:s23] =	ssyncset.done $0x0  }
0xa4: {  	s25 =	simm.s32 $0x1B8E;
	s24 =	sld [smem:$0x3FFE];
	[sflag:s23] =	ssyncadd.s32 $0xFFFFFFFF  }
0xa5: {  	s26 =	simm.s32 $execute0_lowered;
	[smem:$0x3FD2] =	sst s25  }
0xa6: {  	s5 =	sshll.u32 s26, $0x1;
	_ =	strace $0x80000046;
	[dreg:$0x1] =	wrdreg $0xFFFFFFFF  }
0xa7: {  	s28 =	simm.s32 $_size_execute0_lowered;
	s3 =	sadd.s32 s3, s5;
	[dreg:$0x0] =	wrdreg $0x0  }
0xa8: {  	s5 =	sshll.u32 s28, $0x1;
	[dreg:$0x2] =	wrdreg s3  }
0xa9: {  	[dreg:$0x3] =	wrdreg s5  }
0xaa: {  	[dreg:$0x4] =	wrdreg $0xC0  }
0xab: {  	_ =	task [dreg:s7], $0x5FFFF  }
0xac: {  	[dreg:$0x1] =	wrdreg $0xFFFFFFFF  }
0xad: {  	[dreg:$0x0] =	wrdreg $0x60  }
0xae: {  	[dreg:$0x2] =	wrdreg s24  }
0xaf: {  	[dreg:$0x3] =	wrdreg s2  }
0xb0: {  	[dreg:$0x4] =	wrdreg $0x132C00  }
0xb1: {  	[dreg:$0x5] =	wrdreg $0x1D0000  }
0xb2: {  	[dreg:$0x6] =	wrdreg $0x9  }
0xb3: {  	_ =	task.clear_ibuf [dreg:s7], $0x7FFFF;
	_ =	strace $0x90000046  }
0xb4: {  	s29 =	simm.s32 $0x9;
	_ =	strace $0x80000048  }
0xb5: {  	_ =	swait.ge [sflag:s29], $0x1  }
0xb6: {  	[sflag:s29] =	ssyncadd.s32 $0xFFFFFFFF  }
0xb7: {  	_ =	strace $0x90000048  }
0xb8: {  	_ =	sfence  }
0xb9: {  	s30 =	sld [smem:$0x0];
	_ =	sdelay $0x2  }
0xba: {  	s31 =	sshll.u32 s1, $0xD;
	s1 =	sshrl.u32 s1, $0x2  }
0xbb: {  	s3 =	sand.u32 $0x4000, s31;
	s1 =	sadd.s32 s1, s30  }
0xbc: {  	s0 =	sor.u32 s3, s0;
	s1 =	sshll.u32 s1, $0x11  }
0xbd: {  	s0 =	sor.u32 s1, s0  }
0xbe: {  	s0 =	sadd.s32 $0x8F2B, s0  }
0xbf: {  	[sflag:s0] =	ssyncadd.remote.s32 $0x1  }
0xc0: {  	_ =	sfence.sel $0xFFFF  }
0xc1: {  	[dreg:$0x0] =	wrdreg $0xFFFFFFFF;
	(pc) =	sbr.abs _section_cstart, $3  }
0xc2: {  	[dreg:$0x1] =	wrdreg $0xFFFFFFFF  }
0xc3: {  	_ =	task.clear_ibuf [dreg:s7], $0x2FFFF;
	_ =	strace $0x9FFFFFFF  }
0xc4: {  	(tm) =	ssettm $0x7FFFFFFF  }
0xc5: {  	_ =	shalt  }
tec
execute0_lowered:
.L_overlay_start_1:
0x0: {  	(tag) =	ssettag $0x1  }
0x1: {  	s0 =	srdreg.scid;
	s14 =	stileid.u32  }
0x2: {  	s7 =	sand.u32 $0x1, s0;
	s0 =	smul.u32 $0x2710, s14  }
0x3: {  	s3 =	rddreg [dreg:$0x0];
	s8 =	smul.u32 $0x9CC, s14  }
0x4: {  	s6 =	rddreg [dreg:$0x1];
	s26 =	smul.u32 $0x275, s14  }
0x5: {  	s1 =	rddreg [dreg:$0x2];
	s11 =	smul.u32 $0x27500, s14  }
0x6: {  	s2 =	rddreg [dreg:$0x3];
	s25 =	simm.s32 $0x0;
	s28 =	smul.u32 $0x9D40, s14  }
0x7: {  	[smem:$0x7FF] =	sst s25;
	s5 =	sadd.s32 $0x14C00, s3;
	s16 =	smul.u32 $0x9C40, s14  }
0x8: {  	p0 =	sgt.u32 s14, $0x7;
	s14 =	simm.s32 $0x6;
	s4 =	smul.u32 $0x27100, s7  }
0x9: {  	_ =	strace $0x80000047;
	s9 =	ssub.s32 $0x2, s7;
	p1 =	seq.s32 s7, $0x0  }
0xa: {  	s8 =	sadd.s32 s8, s3;
	s10 =	sshrl.u32 s9, $0x1;
	s29 =	sadd.s32 $0x60, s26  }
0xb: {  	s11 =	sshrl.u32 s11, $0x2;
	s18 =	sadd.s32 $0x120, s26;
	s20 =	sadd.s32 $0x180, s26  }
0xc: {  	s23 =	sadd.s32 $0x1E0, s26;
	s24 =	sadd.s32 $0x240, s26;
	s4 =	sadd.s32 s0, s4  }
0xd: {  	s9 =	ssub.s32 s9, s10;
	s12 =	sadd.s32 $0xAE00, s8;
	s8 =	sadd.s32 $0x1000, s8  }
0xe: {  	s13 =	sshll.u32 s29, $0x6;
	s11 =	sadd.s32 s11, s1;
	s19 =	sshll.u32 s18, $0x6  }
0xf: {  	s21 =	sshll.u32 s20, $0x6;
	s22 =	sshll.u32 s20, $0x4;
	s25 =	sshll.u32 s23, $0x6  }
0x10: {  	s0 =	sadd.s32 s0, s2;
	s10 =	simm.s32 $0x4;
	[dreg:$0x5] =	wrdreg s12  }
0x11: {  	s4 =	sshrl.u32 s4, $0x3;
	[dreg:$0x6] =	wrdreg s8;
	s12 =	sshrl.u32 s28, $0x2  }
0x12: {  	[dreg:$0x7] =	wrdreg s11;
	s31 =	sadd.s32 s13, s1;
	s8 =	sshll.u32 s29, $0x4  }
0x13: {  	s13 =	smul.u32 $0x9C400, s7;
	s11 =	sshll.u32 s18, $0x4;
	s29 =	sadd.s32 s16, s1  }
0x14: {  	s0 =	sshrl.u32 s0, $0x3;
	s3 =	sadd.s32 s4, s3;
	s4 =	simm.s32 $0x4E20  }
0x15: {  	s30 =	sadd.s32 s12, s2;
	[dreg:$0x9] =	wrdreg s31;
	s12 =	sadd.s32 $0xC0, s26  }
0x16: {  	s8 =	sadd.s32 s8, s2;
	s11 =	sadd.s32 s11, s2;
	[dreg:$0x19] =	wrdreg s0  }
0x17: {  	s26 =	sshll.u32 s24, $0x6;
	s31 =	sshrl.u32 s29, $0x3;
	[dreg:$0x8] =	wrdreg s30  }
0x18: {  	s0 =	simm.s32 $0x60;
	s4 =	simm.s32 @!p0 $0x0;
	[dreg:$0xa] =	wrdreg s8  }
0x19: {  	s15 =	sshll.u32 s12, $0x6;
	s17 =	sshll.u32 s12, $0x4;
	s12 =	sadd.s32 s16, s13  }
0x1a: {  	[dreg:$0xf] =	wrdreg s11;
	p0 =	sne.s32 s7, $0x0;
	s28 =	sadd.s32 s26, s1  }
0x1b: {  	s3 =	sadd.s32 $0x62E00, s3;
	s30 =	smax.u32 s9, $0x1;
	[dreg:$0x18] =	wrdreg s31  }
0x1c: {  	s9 =	simm.s32 $0x7;
	s11 =	simm.s32 $0x8;
	[dreg:$0x14] =	wrdreg s28  }
0x1d: {  	s13 =	simm.s32 $0x9;
	s4 =	sor.u32 s7, s4;
	[dreg:$0x16] =	wrdreg s3  }
0x1e: {  	s8 =	sadd.s32 s15, s1;
	s12 =	sshrl.u32 s12, $0x3;
	[dreg:$0x17] =	wrdreg s30  }
0x1f: {  	s7 =	sshll.u32 s23, $0x4;
	[dreg:$0xb] =	wrdreg s8;
	s8 =	sadd.s32 s17, s2  }
0x20: {  	s3 =	simm.s32 $0x1;
	s6 =	sadd.s32 s6, s12;
	[dreg:$0xc] =	wrdreg s8  }
0x21: {  	s15 =	simm.s32 $0xA;
	s7 =	sadd.s32 s7, s2;
	[dreg:$0xe] =	wrdreg s6  }
0x22: {  	s17 =	simm.s32 $0xD;
	s8 =	sadd.s32 s19, s1;
	[dreg:$0x13] =	wrdreg s7  }
.Ltmp0:
0x23: {  	s6 =	sadd.s32 s21, s1;
	[dreg:$0xd] =	wrdreg s8;
	(pc) =	sbr.rel .LBB2_1-.Ltmp0, $4  }
0x24: {  	s12 =	simm.s32 $0x5;
	[dreg:$0x10] =	wrdreg s6;
	s6 =	sadd.s32 s22, s2  }
0x25: {  	s8 =	sadd.s32 s25, s1;
	[dreg:$0x11] =	wrdreg s6;
	s6 =	sshll.u32 s24, $0x4  }
0x26: {  	s7 =	simm.s32 $0x2;
	[dreg:$0x12] =	wrdreg s8;
	s6 =	sadd.s32 s6, s2  }
0x27: {  	v1 =	vimm.f32 $0.0e+00;
	v2 =	vimm.f32 $1.000000000e+00;
	v0 =	vmov s4;
	s8 =	simm.s32 $0x3;
	[dreg:$0x15] =	wrdreg s6;
	s6 =	simm.s32 $0x0  }
.LBB2_19:
0x28: {  	_ =	swait.ge [sflag:s3], $0x1800  }
0x29: {  	[sflag:s3] =	ssyncset.done $0x0  }
0x2a: {  	s6 =	simm.s32 $0xB;
	[sflag:s3] =	ssyncadd.s32 $0xFFFFE800  }
0x2b: {  	_ =	swait.ge [sflag:s6], $0x1800  }
0x2c: {  	[sflag:s6] =	ssyncset.done $0x0  }
0x2d: {  	s16 =	simm.s32 @p0 $0xFCC0;
	[sflag:s6] =	ssyncadd.s32 $0xFFFFE800;
	s6 =	simm.s32 @p0 $0x4E00  }
0x2e: {  	[tilespmem:s16], [sflag:$0x5] =	stream.indirect.gather @p0 [hbm4b:s5+s19], $0x40, s6, s19, $0xb8;
	[tilespmem:$0x1F750] =	vst v63  }
0x2f: {  	s6 =	simm.s32 @p0 $0x9AE0;
	s16 =	simm.s32 @p0 $0x9CC0  }
0x30: {  	[spmem:s1] =	stream.indirect.scatter.add.f32 @p0 [tilespmem:s16], [sflag:$0x7], $0x40, s6, s19, $0xb8;
	[tilespmem:$0x1F750] =	vst v63  }
0x31: {  	s6 =	simm.s32 @!p0 $0xB  }
0x32: {  	_ =	swait.ge @!p0 [sflag:s6], $0x600  }
0x33: {  	[sflag:s6] =	ssyncset.done @!p0 $0x0  }
0x34: {  	s16 =	simm.s32 @!p0 $0xFCC0;
	[sflag:s6] =	ssyncadd.s32 @!p0 $0xFFFFFA00;
	s6 =	simm.s32 @!p0 $0x4E00  }
0x35: {  	[tilespmem:s16], [sflag:$0x5] =	stream.indirect.gather @!p0 [hbm4b:s5+s18], $0x40, s6, s18, $0xb8;
	[tilespmem:$0x1F750] =	vst v63  }
0x36: {  	s6 =	simm.s32 @!p0 $0x9AE0;
	s16 =	simm.s32 @!p0 $0x9CC0  }
0x37: {  	[spmem:s1] =	stream.indirect.scatter.add.f32 @!p0 [tilespmem:s16], [sflag:$0x7], $0x40, s6, s18, $0xb8;
	[tilespmem:$0x1F750] =	vst v63  }
0x38: {  	s16 =	simm.s32 @!p0 $0x12CC0  }
0x39: {  	[spmem:s2] =	stream.indirect.scatter.add.f32 @!p0 [tilespmem:s16], [sflag:$0x7], $0x10, s6, s18, $0xb8;
	[tilespmem:$0x1F750] =	vst v63  }
0x3a: {  	_ =	swait.ge [sflag:s7], $0x1800  }
0x3b: {  	[sflag:s7] =	ssyncset.done $0x0  }
0x3c: {  	s21 =	simm.s32 $0xC;
	[sflag:s7] =	ssyncadd.s32 $0xFFFFE800  }
0x3d: {  	_ =	swait.ge [sflag:s21], $0x1800  }
0x3e: {  	[sflag:s21] =	ssyncset.done $0x0  }
0x3f: {  	s17 =	simm.s32 @p1 $0xB4C0;
	s6 =	simm.s32 @p1 $0x9B40;
	[sflag:s21] =	ssyncadd.s32 $0xFFFFE800  }
0x40: {  	[spmem:s1] =	stream.indirect.scatter.add.f32 @p1 [tilespmem:s17], [sflag:$0x8], $0x40, s6, s23, $0xb8;
	[tilespmem:$0x1F750] =	vst v63  }
0x41: {  	s6 =	simm.s32 @!p1 $0xC  }
0x42: {  	_ =	swait.ge @!p1 [sflag:s6], $0x600  }
0x43: {  	[sflag:s6] =	ssyncset.done @!p1 $0x0  }
0x44: {  	s17 =	simm.s32 @!p1 $0xB4C0;
	[sflag:s6] =	ssyncadd.s32 @!p1 $0xFFFFFA00;
	s6 =	simm.s32 @!p1 $0x9B40  }
0x45: {  	[spmem:s1] =	stream.indirect.scatter.add.f32 @!p1 [tilespmem:s17], [sflag:$0x8], $0x40, s6, s22, $0xb8;
	[tilespmem:$0x1F750] =	vst v63  }
0x46: {  	s17 =	simm.s32 @!p1 $0x12CC0  }
0x47: {  	[spmem:s2] =	stream.indirect.scatter.add.f32 @!p1 [tilespmem:s17], [sflag:$0x8], $0x10, s6, s22, $0xb8;
	[tilespmem:$0x1F750] =	vst v63  }
0x48: {  	_ =	swait.ge [sflag:s8], $0x1800  }
0x49: {  	[sflag:s8] =	ssyncset.done $0x0  }
0x4a: {  	[sflag:s8] =	ssyncadd.s32 $0xFFFFE800  }
0x4b: {  	_ =	swait.ge [sflag:s9], $0x1800  }
0x4c: {  	[sflag:s9] =	ssyncset.done $0x0  }
0x4d: {  	s20 =	simm.s32 @p0 $0xCCC0;
	s6 =	simm.s32 @p0 $0x9BA0;
	[sflag:s9] =	ssyncadd.s32 $0xFFFFE800  }
0x4e: {  	[spmem:s1] =	stream.indirect.scatter.add.f32 @p0 [tilespmem:s20], [sflag:$0x9], $0x40, s6, s19, $0xb8;
	[tilespmem:$0x1F750] =	vst v63  }
0x4f: {  	s6 =	simm.s32 @!p0 $0x7  }
0x50: {  	_ =	swait.ge @!p0 [sflag:s6], $0x600  }
0x51: {  	[sflag:s6] =	ssyncset.done @!p0 $0x0  }
0x52: {  	s19 =	simm.s32 @!p0 $0xCCC0;
	[sflag:s6] =	ssyncadd.s32 @!p0 $0xFFFFFA00;
	s6 =	simm.s32 @!p0 $0x9BA0  }
0x53: {  	[spmem:s1] =	stream.indirect.scatter.add.f32 @!p0 [tilespmem:s19], [sflag:$0x9], $0x40, s6, s18, $0xb8;
	[tilespmem:$0x1F750] =	vst v63  }
0x54: {  	_ = 	snop  }
0x55: {  	[spmem:s2] =	stream.indirect.scatter.add.f32 @!p0 [tilespmem:s16], [sflag:$0x9], $0x10, s6, s18, $0xb8;
	[tilespmem:$0x1F750] =	vst v63  }
0x56: {  	_ =	swait.ge [sflag:s10], $0x1800  }
0x57: {  	[sflag:s10] =	ssyncset.done $0x0  }
0x58: {  	[sflag:s10] =	ssyncadd.s32 $0xFFFFE800  }
0x59: {  	_ =	swait.ge [sflag:s11], $0x1800  }
0x5a: {  	[sflag:s11] =	ssyncset.done $0x0  }
0x5b: {  	s6 =	simm.s32 @p1 $0x9C00;
	s16 =	simm.s32 @p1 $0xE4C0;
	[sflag:s11] =	ssyncadd.s32 $0xFFFFE800  }
0x5c: {  	[spmem:s1] =	stream.indirect.scatter.add.f32 @p1 [tilespmem:s16], [sflag:$0xA], $0x40, s6, s23, $0xb8;
	[tilespmem:$0x1F750] =	vst v63  }
0x5d: {  	s6 =	simm.s32 @!p1 $0x8  }
0x5e: {  	_ =	swait.ge @!p1 [sflag:s6], $0x600  }
0x5f: {  	[sflag:s6] =	ssyncset.done @!p1 $0x0  }
0x60: {  	s16 =	simm.s32 @!p1 $0xE4C0;
	[sflag:s6] =	ssyncadd.s32 @!p1 $0xFFFFFA00;
	s6 =	simm.s32 @!p1 $0x9C00  }
0x61: {  	[spmem:s1] =	stream.indirect.scatter.add.f32 @!p1 [tilespmem:s16], [sflag:$0xA], $0x40, s6, s22, $0xb8;
	[tilespmem:$0x1F750] =	vst v63  }
0x62: {  	_ = 	snop  }
0x63: {  	[spmem:s2] =	stream.indirect.scatter.add.f32 @!p1 [tilespmem:s17], [sflag:$0xA], $0x10, s6, s22, $0xb8;
	[tilespmem:$0x1F750] =	vst v63  }
0x64: {  	_ =	swait.ge [sflag:s12], $0x1800  }
0x65: {  	[sflag:s12] =	ssyncset.done $0x0  }
0x66: {  	[sflag:s12] =	ssyncadd.s32 $0xFFFFE800  }
0x67: {  	_ =	swait.ge [sflag:s13], $0x1800  }
0x68: {  	[sflag:s13] =	ssyncset.done $0x0  }
0x69: {  	[sflag:s13] =	ssyncadd.s32 $0xFFFFE800  }
0x6a: {  	_ =	swait.ge @p1 [sflag:s26], $0x600  }
0x6b: {  	[sflag:s26] =	ssyncset.done @p1 $0x0  }
0x6c: {  	s6 =	simm.s32 @p1 $0x9C60;
	[sflag:s26] =	ssyncadd.s32 @p1 $0xFFFFFA00  }
0x6d: {  	[spmem:s1] =	stream.indirect.scatter.add.f32 @p1 [tilespmem:s4], [sflag:$0xB], $0x40, s6, s23, $0xb8;
	[tilespmem:$0x1F750] =	vst v63  }
0x6e: {  	s4 =	simm.s32 @p1 $0xA  }
0x6f: {  	[spmem:s2] =	stream.indirect.scatter.add.f32 @p1 [tilespmem:s24], [sflag:$0xB], $0x10, s6, s23, $0xb8;
	[tilespmem:$0x1F750] =	vst v63  }
0x70: {  	_ =	swait.ge @p1 [sflag:s4], $0x1800  }
0x71: {  	[sflag:s4] =	ssyncset.done @p1 $0x0  }
0x72: {  	[sflag:s4] =	ssyncadd.s32 @p1 $0xFFFFE800;
	s4 =	simm.s32 @p1 $0xB  }
0x73: {  	_ =	swait.ge @p1 [sflag:s4], $0x1800  }
0x74: {  	[sflag:s4] =	ssyncset.done @p1 $0x0  }
0x75: {  	[sflag:s4] =	ssyncadd.s32 @p1 $0xFFFFE800  }
0x76: {  	_ =	swait.ge @p1 [sflag:s4], $0x600  }
0x77: {  	[sflag:s4] =	ssyncset.done @p1 $0x0  }
0x78: {  	[sflag:s4] =	ssyncadd.s32 @p1 $0xFFFFFA00;
	s4 =	simm.s32 @!p1 $0x9C60  }
0x79: {  	[spmem:s1] =	stream.indirect.scatter.add.f32 @!p1 [tilespmem:s25], [sflag:$0xB], $0x40, s4, s22, $0xb8;
	[tilespmem:$0x1F750] =	vst v63  }
0x7a: {  	s4 =	simm.s32 @!p1 $0xA  }
0x7b: {  	_ =	swait.ge @!p1 [sflag:s4], $0x1800  }
0x7c: {  	[sflag:s4] =	ssyncset.done @!p1 $0x0  }
0x7d: {  	[sflag:s4] =	ssyncadd.s32 @!p1 $0xFFFFE800  }
0x7e: {  	_ =	swait.ge @!p1 [sflag:s4], $0x600  }
0x7f: {  	[sflag:s4] =	ssyncset.done @!p1 $0x0  }
0x80: {  	[sflag:s4] =	ssyncadd.s32 @!p1 $0xFFFFFA00;
	s4 =	simm.s32 @!p1 $0xB  }
0x81: {  	_ =	swait.ge @!p1 [sflag:s4], $0x1800  }
0x82: {  	[sflag:s4] =	ssyncset.done @!p1 $0x0  }
0x83: {  	[sflag:s4] =	ssyncadd.s32 @!p1 $0xFFFFE800  }
0x84: {  	s24 =	stileid.u32;
	[bflag:$0x0] =	sbarrier.arrive $0xFFFF  }
0x85: {  	s4 =	sshll.u32 s24, $0x6;
	s25 =	rddreg [dreg:$0xe]  }
0x86: {  	s17 =	simm.s32 $0xD;
	s4 =	sor.u32 $0x1C0D, s4;
	s26 =	rddreg [dreg:$0x18]  }
0x87: {  	[hbm:s25], [sflag:s4] =	dma.local [spmem:s26], $0x1388  }
0x88: {  	_ =	swait.ge [sflag:s17], $0x1388  }
0x89: {  	[sflag:s17] =	ssyncset.done $0x0;
	s28 =	rddreg [dreg:$0x16]  }
0x8a: {  	s29 =	rddreg [dreg:$0x19];
	[sflag:s17] =	ssyncadd.s32 $0xFFFFEC78  }
0x8b: {  	[hbm:s28], [sflag:s4] =	dma.local [spmem:s29], $0x4E2  }
0x8c: {  	_ =	swait.ge [sflag:s17], $0x4E2  }
0x8d: {  	s30 =	rddreg [dreg:$0x1a]  }
0x8e: {  	s31 =	rddreg [dreg:$0x17];
	s6 =	sadd.s32 $0x1, s30  }
0x8f: {  	p2 =	sne.s32 s6, s31  }
.Ltmp1:
0x90: {  	_ = 	snop;
	(pc) =	sbr.rel @!p2 .LBB2_20-.Ltmp1, $3  }
0x91: {  	_ =	sdelay $0x1  }
0x92: {  	[sflag:s17] =	ssyncset.done $0x0  }
0x93: {  	[sflag:s17] =	ssyncadd.s32 $0xFFFFFB1E  }
.LBB2_1:
0x94: {  	[dreg:$0x1a] =	wrdreg s6  }
0x95: {  	s4 =	simm.s32 $0x0;
	s30 =	rddreg [dreg:$0x5]  }
0x96: {  	[tilespmem:s4], [sflag:$0xD] =	stream.linear.gather [hbm4b:s30+s4], $0x4E60, $0x38;
	[tilespmem:$0x1F750] =	vst v63  }
0x97: {  	_ =	swait.ge [sflag:s17], $0x4E60  }
0x98: {  	[sflag:s17] =	ssyncset.done $0x0  }
0x99: {  	s16 =	simm.s32 $0x4E60;
	s31 =	rddreg [dreg:$0x6];
	[sflag:s17] =	ssyncadd.s32 $0xFFFFB1A0  }
0x9a: {  	[tilespmem:s16], [sflag:$0xD] =	stream.linear.gather [hbm4b:s31+s4], $0x4E60, $0x38;
	[tilespmem:$0x1F750] =	vst v63  }
0x9b: {  	_ =	swait.ge [sflag:s17], $0x4E60  }
0x9c: {  	[sflag:s17] =	ssyncset.done $0x0  }
0x9d: {  	s18 =	simm.s32 $0x50;
	[sflag:s17] =	ssyncadd.s32 $0xFFFFB1A0  }
0x9e: {  	v3 =	vld [tilespmem:s18+$0xFFFFFFB0]  }
0x9f: {  	v4 =	vld [tilespmem:s18+$0xFFFFFFC0]  }
0xa0: {  	v5 =	vld [tilespmem:s18+$0xFFFFFFD0]  }
0xa1: {  	v6 =	vld [tilespmem:s18+$0xFFFFFFE0]  }
0xa2: {  	v7 =	vld [tilespmem:s18+$0x0]  }
0xa3: {  	v8 =	vld [tilespmem:s18+$0xFFFFFFF0];
	v3 =	vshll.u32 v3, $0x1  }
0xa4: {  	v4 =	vshll.u32 v4, $0x1;
	v3 =	vadd.s32 v0, v3  }
0xa5: {  	s4 =	simm.s32 $0xB0;
	v5 =	vshll.u32 v5, $0x1;
	v4 =	vadd.s32 v0, v4;
	[tilespmem:s18+$0xFFFFFFB0] =	vst v3  }
0xa6: {  	v6 =	vshll.u32 v6, $0x1;
	v5 =	vadd.s32 v0, v5;
	v3 =	vld [tilespmem:s4+$0xFFFFFFB0];
	[tilespmem:s18+$0xFFFFFFC0] =	vst v4  }
0xa7: {  	v7 =	vshll.u32 v7, $0x1;
	v6 =	vadd.s32 v0, v6;
	v4 =	vld [tilespmem:s4+$0xFFFFFFC0];
	[tilespmem:s18+$0xFFFFFFD0] =	vst v5  }
0xa8: {  	v8 =	vshll.u32 v8, $0x1;
	v9 =	vadd.s32 v0, v7;
	v5 =	vld [tilespmem:s4+$0xFFFFFFD0];
	[tilespmem:s18+$0xFFFFFFE0] =	vst v6  }
0xa9: {  	s19 =	simm.s32 $0x440;
	v7 =	vadd.s32 v0, v8;
	v6 =	vld [tilespmem:s4+$0xFFFFFFE0];
	[tilespmem:s18+$0x0] =	vst v9  }
.LBB2_2:
0xaa: {  	p2 =	sne.s32 s19, $0x13940;
	v8 =	vld [tilespmem:s4+$0x0];
	[tilespmem:s18+$0xFFFFFFF0] =	vst v7;
	s18 =	smov.u32 s4  }
0xab: {  	v3 =	vshll.u32 v3, $0x1;
	v7 =	vld [tilespmem:s18+$0xFFFFFFF0]  }
0xac: {  	v3 =	vadd.s32 v0, v3;
	v4 =	vshll.u32 v4, $0x1  }
.Ltmp2:
0xad: {  	s4 =	sshra.s32 s19, $0x2;
	[tilespmem:s18+$0xFFFFFFB0] =	vst v3;
	v4 =	vadd.s32 v0, v4;
	v5 =	vshll.u32 v5, $0x1;
	(pc) =	sbr.rel @p2 .LBB2_2-.Ltmp2, $4  }
0xae: {  	v3 =	vld [tilespmem:s4+$0xFFFFFFB0];
	[tilespmem:s18+$0xFFFFFFC0] =	vst v4;
	v5 =	vadd.s32 v0, v5;
	v6 =	vshll.u32 v6, $0x1  }
0xaf: {  	v4 =	vld [tilespmem:s4+$0xFFFFFFC0];
	[tilespmem:s18+$0xFFFFFFD0] =	vst v5;
	v6 =	vadd.s32 v0, v6;
	v8 =	vshll.u32 v8, $0x1  }
0xb0: {  	v5 =	vld [tilespmem:s4+$0xFFFFFFD0];
	[tilespmem:s18+$0xFFFFFFE0] =	vst v6;
	v7 =	vshll.u32 v7, $0x1;
	v8 =	vadd.s32 v0, v8  }
0xb1: {  	s19 =	sadd.s32 $0x180, s19;
	v6 =	vld [tilespmem:s4+$0xFFFFFFE0];
	v7 =	vadd.s32 v0, v7;
	[tilespmem:s18+$0x0] =	vst v8  }
0xb2: {  	v8 =	vld [tilespmem:s4+$0x0];
	[tilespmem:s18+$0xFFFFFFF0] =	vst v7  }
0xb3: {  	v3 =	vshll.u32 v3, $0x1;
	v7 =	vld [tilespmem:s4+$0xFFFFFFF0]  }
0xb4: {  	v3 =	vadd.s32 v0, v3;
	v4 =	vshll.u32 v4, $0x1  }
0xb5: {  	p2 =	por $0x1, $0x1;
	[tilespmem:s4+$0xFFFFFFB0] =	vst v3;
	v3 =	vadd.s32 v0, v4;
	v61 =	vshll.u32 v5, $0x1  }
.Ltmp3:
0xb6: {  	[tilespmem:s4+$0xFFFFFFC0] =	vst v3;
	v3 =	vadd.s32 v0, v61;
	v62 =	vshll.u32 v6, $0x1;
	(pc) =	sbr.rel @!p2 .LBB2_5-.Ltmp3, $4  }
0xb7: {  	[tilespmem:s4+$0xFFFFFFD0] =	vst v3;
	v3 =	vadd.s32 v0, v62;
	v63 =	vshll.u32 v8, $0x1  }
0xb8: {  	[tilespmem:s4+$0xFFFFFFE0] =	vst v3;
	v3 =	vshll.u32 v7, $0x1;
	v4 =	vadd.s32 v0, v63  }
0xb9: {  	v3 =	vadd.s32 v0, v3;
	[tilespmem:s4+$0x0] =	vst v4  }
0xba: {  	s19 =	simm.s32 $0x100;
	s18 =	simm.s32 $0x0;
	[tilespmem:s4+$0xFFFFFFF0] =	vst v3;
	s4 =	simm.s32 $0x0  }
.LBB2_4:
0xbb: {  	p2 =	sne.s32 s19, $0x5F00;
	[tilespmem:s18+$0x9CF0] =	vst v1;
	s20 =	smov.u32 s19;
	s19 =	sadd.s32 $0x100, s19  }
.Ltmp4:
0xbc: {  	[tilespmem:s18+$0x9CE0] =	vst v1;
	(pc) =	sbr.rel @p2 .LBB2_4-.Ltmp4, $3  }
0xbd: {  	[tilespmem:s18+$0x9CC0] =	vst v1  }
0xbe: {  	[tilespmem:s18+$0x9CD0] =	vst v1;
	_ =	sdelay $0x1  }
0xbf: {  	s18 =	sshra.s32 s20, $0x2  }
.LBB2_5:
0xc0: {  	p2 =	por $0x1, $0x1  }
.Ltmp5:
0xc1: {  	_ = 	snop;
	(pc) =	sbr.rel @!p2 .LBB2_7-.Ltmp5, $4  }
0xc2: {  	[tilespmem:s18+$0x9CF0] =	vst v1  }
0xc3: {  	[tilespmem:s18+$0x9CE0] =	vst v1  }
0xc4: {  	[tilespmem:s18+$0x9CC0] =	vst v1  }
0xc5: {  	[tilespmem:s18+$0x9CD0] =	vst v1;
	s18 =	simm.s32 $0x40  }
.LBB2_6:
0xc6: {  	p2 =	sne.s32 s18, $0x17C0;
	[tilespmem:s4+$0x12CC0] =	vst v1;
	s4 =	smov.u32 s18;
	s18 =	sadd.s32 $0x40, s18  }
.Ltmp6:
0xc7: {  	(pc) =	sbr.rel @p2 .LBB2_6-.Ltmp6, $2  }
0xc8: {  	_ =	sdelay $0x2  }
0xc9: {  	s4 =	sshra.s32 s4, $0x2  }
.LBB2_7:
0xca: {  	[tilespmem:s4+$0x12CC0] =	vst v1;
	s16 =	rddreg [dreg:$0x7];
	s6 =	simm.s32 $0x9CC0  }
0xcb: {  	[spmem:s16] =	stream.linear.scatter [tilespmem:s6], [sflag:$0xD], $0x1800, $0x38;
	[tilespmem:$0x1F750] =	vst v63  }
0xcc: {  	_ =	swait.ge [sflag:s17], $0x1800  }
0xcd: {  	[sflag:s17] =	ssyncset.done $0x0  }
0xce: {  	s16 =	simm.s32 $0x12CC0;
	s18 =	rddreg [dreg:$0x8];
	[sflag:s17] =	ssyncadd.s32 $0xFFFFE800  }
0xcf: {  	[spmem:s18] =	stream.linear.scatter [tilespmem:s16], [sflag:$0xD], $0x600, $0x38;
	[tilespmem:$0x1F750] =	vst v63  }
0xd0: {  	_ =	swait.ge [sflag:s17], $0x600  }
0xd1: {  	[sflag:s17] =	ssyncset.done $0x0  }
0xd2: {  	s19 =	rddreg [dreg:$0x9];
	[sflag:s17] =	ssyncadd.s32 $0xFFFFFA00  }
0xd3: {  	[spmem:s19] =	stream.linear.scatter [tilespmem:s6], [sflag:$0xD], $0x1800, $0x38;
	[tilespmem:$0x1F750] =	vst v63  }
0xd4: {  	_ =	swait.ge [sflag:s17], $0x1800  }
0xd5: {  	[sflag:s17] =	ssyncset.done $0x0  }
0xd6: {  	s20 =	rddreg [dreg:$0xa];
	[sflag:s17] =	ssyncadd.s32 $0xFFFFE800  }
0xd7: {  	[spmem:s20] =	stream.linear.scatter [tilespmem:s16], [sflag:$0xD], $0x600, $0x38;
	[tilespmem:$0x1F750] =	vst v63  }
0xd8: {  	_ =	swait.ge [sflag:s17], $0x600  }
0xd9: {  	[sflag:s17] =	ssyncset.done $0x0  }
0xda: {  	s21 =	rddreg [dreg:$0xb];
	[sflag:s17] =	ssyncadd.s32 $0xFFFFFA00  }
0xdb: {  	[spmem:s21] =	stream.linear.scatter [tilespmem:s6], [sflag:$0xD], $0x1800, $0x38;
	[tilespmem:$0x1F750] =	vst v63  }
0xdc: {  	_ =	swait.ge [sflag:s17], $0x1800  }
0xdd: {  	[sflag:s17] =	ssyncset.done $0x0  }
0xde: {  	s22 =	rddreg [dreg:$0xc];
	[sflag:s17] =	ssyncadd.s32 $0xFFFFE800  }
0xdf: {  	[spmem:s22] =	stream.linear.scatter [tilespmem:s16], [sflag:$0xD], $0x600, $0x38;
	[tilespmem:$0x1F750] =	vst v63  }
0xe0: {  	_ =	swait.ge [sflag:s17], $0x600  }
0xe1: {  	[sflag:s17] =	ssyncset.done $0x0  }
0xe2: {  	s23 =	rddreg [dreg:$0xd];
	[sflag:s17] =	ssyncadd.s32 $0xFFFFFA00  }
0xe3: {  	[spmem:s23] =	stream.linear.scatter [tilespmem:s6], [sflag:$0xD], $0x1800, $0x38;
	[tilespmem:$0x1F750] =	vst v63  }
0xe4: {  	_ =	swait.ge [sflag:s17], $0x1800  }
0xe5: {  	[sflag:s17] =	ssyncset.done $0x0  }
0xe6: {  	s24 =	rddreg [dreg:$0xf];
	[sflag:s17] =	ssyncadd.s32 $0xFFFFE800  }
0xe7: {  	[spmem:s24] =	stream.linear.scatter [tilespmem:s16], [sflag:$0xD], $0x600, $0x38;
	[tilespmem:$0x1F750] =	vst v63  }
0xe8: {  	_ =	swait.ge [sflag:s17], $0x600  }
0xe9: {  	[sflag:s17] =	ssyncset.done $0x0  }
0xea: {  	s25 =	rddreg [dreg:$0x10];
	[sflag:s17] =	ssyncadd.s32 $0xFFFFFA00  }
0xeb: {  	[spmem:s25] =	stream.linear.scatter [tilespmem:s6], [sflag:$0xD], $0x1800, $0x38;
	[tilespmem:$0x1F750] =	vst v63  }
0xec: {  	_ =	swait.ge [sflag:s17], $0x1800  }
0xed: {  	[sflag:s17] =	ssyncset.done $0x0  }
0xee: {  	s26 =	rddreg [dreg:$0x11];
	[sflag:s17] =	ssyncadd.s32 $0xFFFFE800  }
0xef: {  	[spmem:s26] =	stream.linear.scatter [tilespmem:s16], [sflag:$0xD], $0x600, $0x38;
	[tilespmem:$0x1F750] =	vst v63  }
0xf0: {  	_ =	swait.ge [sflag:s17], $0x600  }
0xf1: {  	[sflag:s17] =	ssyncset.done $0x0  }
0xf2: {  	s28 =	rddreg [dreg:$0x12];
	[sflag:s17] =	ssyncadd.s32 $0xFFFFFA00  }
0xf3: {  	[spmem:s28] =	stream.linear.scatter [tilespmem:s6], [sflag:$0xD], $0x1800, $0x38;
	[tilespmem:$0x1F750] =	vst v63  }
0xf4: {  	_ =	swait.ge [sflag:s17], $0x1800  }
0xf5: {  	[sflag:s17] =	ssyncset.done $0x0  }
0xf6: {  	s29 =	rddreg [dreg:$0x13];
	[sflag:s17] =	ssyncadd.s32 $0xFFFFE800  }
0xf7: {  	[spmem:s29] =	stream.linear.scatter [tilespmem:s16], [sflag:$0xD], $0x600, $0x38;
	[tilespmem:$0x1F750] =	vst v63  }
0xf8: {  	_ =	swait.ge [sflag:s17], $0x600  }
0xf9: {  	[sflag:s17] =	ssyncset.done $0x0  }
0xfa: {  	s30 =	rddreg [dreg:$0x14];
	[sflag:s17] =	ssyncadd.s32 $0xFFFFFA00  }
0xfb: {  	[spmem:s30] =	stream.linear.scatter [tilespmem:s6], [sflag:$0xD], $0xD40, $0x38;
	[tilespmem:$0x1F750] =	vst v63  }
0xfc: {  	_ =	swait.ge [sflag:s17], $0xD40  }
0xfd: {  	[sflag:s17] =	ssyncset.done $0x0  }
0xfe: {  	s31 =	rddreg [dreg:$0x15];
	[sflag:s17] =	ssyncadd.s32 $0xFFFFF2C0  }
0xff: {  	[spmem:s31] =	stream.linear.scatter [tilespmem:s16], [sflag:$0xD], $0x350, $0x38;
	[tilespmem:$0x1F750] =	vst v63  }
0x100: {  	_ =	swait.ge [sflag:s17], $0x350  }
0x101: {  	[sflag:s17] =	ssyncset.done $0x0  }
0x102: {  	s4 =	simm.s32 $0x40;
	s18 =	simm.s32 $0x0;
	[sflag:s17] =	ssyncadd.s32 $0xFFFFFCB0  }
.LBB2_8:
0x103: {  	p2 =	sne.s32 s4, $0x17C0;
	[tilespmem:s18+$0x12CC0] =	vst v2;
	s18 =	smov.u32 s4;
	s4 =	sadd.s32 $0x40, s4  }
.Ltmp7:
0x104: {  	(pc) =	sbr.rel @p2 .LBB2_8-.Ltmp7, $2  }
0x105: {  	_ =	sdelay $0x2  }
0x106: {  	s18 =	sshra.s32 s18, $0x2  }
0x107: {  	[tilespmem:s18+$0x12CC0] =	vst v2  }
0x108: {  	s20 =	simm.s32 $0x0;
	s4 =	simm.s32 $0x9CC0;
	[bflag:$0x0] =	sbarrier.arrive $0xFFFF  }
0x109: {  	[tilespmem:s4], [sflag:$0x1] =	stream.indirect.gather [hbm4b:s5+s0], $0x40, s20, s0, $0xb8;
	[tilespmem:$0x1F750] =	vst v63  }
0x10a: {  	s28 =	simm.s32 $0xB4C0  }
0x10b: {  	[tilespmem:s28], [sflag:$0x2] =	stream.indirect.gather [hbm4b:s5+s0], $0x40, s0, s0, $0xb8;
	[tilespmem:$0x1F750] =	vst v63  }
.Ltmp8:
0x10c: {  	_ = 	snop;
	(pc) =	sbr.rel .LBB2_10-.Ltmp8, $4  }
0x10d: {  	s29 =	simm.s32 $0xC0;
	s6 =	simm.s32 $0xCCC0  }
0x10e: {  	[tilespmem:s6], [sflag:$0x3] =	stream.indirect.gather [hbm4b:s5+s0], $0x40, s29, s0, $0xb8;
	[tilespmem:$0x1F750] =	vst v63  }
0x10f: {  	s30 =	simm.s32 $0x120;
	s31 =	simm.s32 $0xE4C0;
	s21 =	simm.s32 $0x0  }
0x110: {  	[tilespmem:s31], [sflag:$0x4] =	stream.indirect.gather [hbm4b:s5+s0], $0x40, s30, s0, $0xb8;
	[tilespmem:$0x1F750] =	vst v63  }
.LBB2_15:
0x111: {  	s18 =	sshra.s32 s20, $0x2  }
0x112: {  	s6 =	simm.s32 $0xFCC0;
	s4 =	sadd.s32 $0x180, s18  }
0x113: {  	[tilespmem:s6], [sflag:$0x5] =	stream.indirect.gather [hbm4b:s5+s0], $0x40, s4, s0, $0xb8;
	[tilespmem:$0x1F750] =	vst v63  }
0x114: {  	s30 =	simm.s32 $0x9CC0;
	s4 =	sadd.s32 $0x4E60, s18  }
0x115: {  	[spmem:s1] =	stream.indirect.scatter.add.f32 [tilespmem:s30], [sflag:$0x7], $0x40, s4, s0, $0xb8;
	[tilespmem:$0x1F750] =	vst v63  }
0x116: {  	_ =	swait.ge [sflag:s7], $0x1800  }
0x117: {  	[sflag:s7] =	ssyncset.done $0x0  }
0x118: {  	s31 =	simm.s32 $0xC;
	[sflag:s7] =	ssyncadd.s32 $0xFFFFE800  }
0x119: {  	_ =	swait.ge [sflag:s31], $0x1800  }
0x11a: {  	[sflag:s31] =	ssyncset.done $0x0  }
0x11b: {  	[sflag:s31] =	ssyncadd.s32 $0xFFFFE800  }
0x11c: {  	_ =	swait.ge [sflag:s31], $0x600  }
0x11d: {  	s25 =	sadd.s32 $0x600, s20;
	[sflag:s31] =	ssyncset.done $0x0  }
0x11e: {  	s29 =	sadd.s32 $0x780, s20;
	s18 =	sadd.s32 $0x1E0, s18;
	[sflag:s31] =	ssyncadd.s32 $0xFFFFFA00  }
.LBB2_17:
0x11f: {  	s6 =	simm.s32 $0x114C0  }
0x120: {  	[tilespmem:s6], [sflag:$0x6] =	stream.indirect.gather [hbm4b:s5+s0], $0x40, s18, s0, $0xb8;
	[tilespmem:$0x1F750] =	vst v63  }
0x121: {  	s28 =	sadd.s32 $0x60, s4;
	s30 =	simm.s32 $0xB4C0  }
0x122: {  	[spmem:s1] =	stream.indirect.scatter.add.f32 [tilespmem:s30], [sflag:$0x8], $0x40, s28, s0, $0xb8;
	[tilespmem:$0x1F750] =	vst v63  }
0x123: {  	s31 =	simm.s32 $0x12CC0;
	s18 =	smov.u32 s20  }
0x124: {  	[spmem:s2] =	stream.indirect.scatter.add.f32 [tilespmem:s31], [sflag:$0x8], $0x10, s28, s0, $0xb8;
	[tilespmem:$0x1F750] =	vst v63  }
.LBB2_18:
0x125: {  	_ =	swait.ge [sflag:s8], $0x1800  }
0x126: {  	[sflag:s8] =	ssyncset.done $0x0  }
0x127: {  	[sflag:s8] =	ssyncadd.s32 $0xFFFFE800  }
0x128: {  	_ =	swait.ge [sflag:s9], $0x1800  }
0x129: {  	[sflag:s9] =	ssyncset.done $0x0  }
0x12a: {  	s19 =	simm.s32 @p1 $0x7;
	[sflag:s9] =	ssyncadd.s32 $0xFFFFE800  }
0x12b: {  	_ =	swait.ge @p1 [sflag:s19], $0x600  }
0x12c: {  	[sflag:s19] =	ssyncset.done @p1 $0x0  }
0x12d: {  	[sflag:s19] =	ssyncadd.s32 @p1 $0xFFFFFA00;
	s19 =	sshra.s32 @p1 s18, $0x2  }
0x12e: {  	s23 =	simm.s32 @p1 $0x60;
	s22 =	simm.s32 @p1 $0x9CC0;
	s19 =	sadd.s32 @p1 $0x240, s19  }
0x12f: {  	[tilespmem:s22], [sflag:$0x1] =	stream.indirect.gather @p1 [hbm4b:s5+s23], $0x40, s19, s23, $0xb8;
	[tilespmem:$0x1F750] =	vst v63  }
0x130: {  	s6 =	simm.s32 @p1 $0xCCC0;
	s19 =	sadd.s32 @p1 $0xC0, s4  }
0x131: {  	[spmem:s1] =	stream.indirect.scatter.add.f32 @p1 [tilespmem:s6], [sflag:$0x9], $0x40, s19, s23, $0xb8;
	[tilespmem:$0x1F750] =	vst v63  }
0x132: {  	s24 =	simm.s32 @p1 $0x12CC0  }
0x133: {  	[spmem:s2] =	stream.indirect.scatter.add.f32 @p1 [tilespmem:s24], [sflag:$0x9], $0x10, s19, s23, $0xb8;
	[tilespmem:$0x1F750] =	vst v63  }
0x134: {  	s19 =	sshra.s32 @!p1 s18, $0x2  }
0x135: {  	s26 =	simm.s32 @!p1 $0x9CC0;
	s22 =	simm.s32 @!p1 $0x60;
	s19 =	sadd.s32 @!p1 $0x240, s19  }
0x136: {  	[tilespmem:s26], [sflag:$0x1] =	stream.indirect.gather @!p1 [hbm4b:s5+s22], $0x40, s19, s22, $0xb8;
	[tilespmem:$0x1F750] =	vst v63  }
0x137: {  	s31 =	simm.s32 @!p1 $0xCCC0;
	s19 =	sadd.s32 @!p1 $0xC0, s4  }
0x138: {  	[spmem:s1] =	stream.indirect.scatter.add.f32 @!p1 [tilespmem:s31], [sflag:$0x9], $0x40, s19, s22, $0xb8;
	[tilespmem:$0x1F750] =	vst v63  }
0x139: {  	_ =	swait.ge [sflag:s10], $0x1800  }
0x13a: {  	[sflag:s10] =	ssyncset.done $0x0  }
0x13b: {  	[sflag:s10] =	ssyncadd.s32 $0xFFFFE800  }
0x13c: {  	_ =	swait.ge [sflag:s11], $0x1800  }
0x13d: {  	[sflag:s11] =	ssyncset.done $0x0  }
0x13e: {  	s19 =	simm.s32 @p0 $0x8;
	[sflag:s11] =	ssyncadd.s32 $0xFFFFE800  }
0x13f: {  	s30 =	sshra.s32 s18, $0x2;
	_ =	swait.ge @p0 [sflag:s19], $0x600  }
0x140: {  	s18 =	sadd.s32 @p0 $0x2A0, s30;
	[sflag:s19] =	ssyncset.done @p0 $0x0  }
0x141: {  	s26 =	simm.s32 @p0 $0xB4C0;
	[sflag:s19] =	ssyncadd.s32 @p0 $0xFFFFFA00;
	s19 =	simm.s32 @p0 $0x60  }
0x142: {  	[tilespmem:s26], [sflag:$0x2] =	stream.indirect.gather @p0 [hbm4b:s5+s19], $0x40, s18, s19, $0xb8;
	[tilespmem:$0x1F750] =	vst v63  }
0x143: {  	s28 =	simm.s32 @p0 $0xE4C0;
	s18 =	sadd.s32 @p0 $0x120, s4  }
0x144: {  	[spmem:s1] =	stream.indirect.scatter.add.f32 @p0 [tilespmem:s28], [sflag:$0xA], $0x40, s18, s19, $0xb8;
	[tilespmem:$0x1F750] =	vst v63  }
0x145: {  	s17 =	simm.s32 @p0 $0x12CC0  }
0x146: {  	[spmem:s2] =	stream.indirect.scatter.add.f32 @p0 [tilespmem:s17], [sflag:$0xA], $0x10, s18, s19, $0xb8;
	[tilespmem:$0x1F750] =	vst v63  }
0x147: {  	s16 =	simm.s32 @!p0 $0xB4C0;
	s26 =	sadd.s32 @!p0 $0x2A0, s30;
	s18 =	simm.s32 @!p0 $0x60  }
0x148: {  	[tilespmem:s16], [sflag:$0x2] =	stream.indirect.gather @!p0 [hbm4b:s5+s18], $0x40, s26, s18, $0xb8;
	[tilespmem:$0x1F750] =	vst v63  }
0x149: {  	s4 =	sadd.s32 @!p0 $0x120, s4;
	s16 =	simm.s32 @!p0 $0xE4C0  }
0x14a: {  	[spmem:s1] =	stream.indirect.scatter.add.f32 @!p0 [tilespmem:s16], [sflag:$0xA], $0x40, s4, s18, $0xb8;
	[tilespmem:$0x1F750] =	vst v63  }
0x14b: {  	_ =	swait.ge [sflag:s12], $0x1800  }
0x14c: {  	[sflag:s12] =	ssyncset.done $0x0  }
0x14d: {  	[sflag:s12] =	ssyncadd.s32 $0xFFFFE800  }
0x14e: {  	_ =	swait.ge [sflag:s13], $0x1800  }
0x14f: {  	[sflag:s13] =	ssyncset.done $0x0  }
0x150: {  	s26 =	simm.s32 @p1 $0x9;
	[sflag:s13] =	ssyncadd.s32 $0xFFFFE800  }
0x151: {  	_ =	swait.ge @p1 [sflag:s26], $0x600  }
0x152: {  	[sflag:s26] =	ssyncset.done @p1 $0x0  }
0x153: {  	s4 =	sadd.s32 @p1 $0x300, s30;
	[sflag:s26] =	ssyncadd.s32 @p1 $0xFFFFFA00  }
0x154: {  	[tilespmem:s6], [sflag:$0x3] =	stream.indirect.gather @p1 [hbm4b:s5+s23], $0x40, s4, s23, $0xb8;
	[tilespmem:$0x1F750] =	vst v63  }
0x155: {  	s4 =	sshra.s32 @p1 s25, $0x2  }
0x156: {  	s6 =	sadd.s32 @p1 $0x4E60, s4;
	s4 =	simm.s32 @p1 $0xFCC0  }
0x157: {  	[spmem:s1] =	stream.indirect.scatter.add.f32 @p1 [tilespmem:s4], [sflag:$0xB], $0x40, s6, s23, $0xb8;
	[tilespmem:$0x1F750] =	vst v63  }
0x158: {  	_ = 	snop  }
0x159: {  	[spmem:s2] =	stream.indirect.scatter.add.f32 @p1 [tilespmem:s24], [sflag:$0xB], $0x10, s6, s23, $0xb8;
	[tilespmem:$0x1F750] =	vst v63  }
0x15a: {  	s6 =	sadd.s32 @!p1 $0x300, s30  }
0x15b: {  	[tilespmem:s31], [sflag:$0x3] =	stream.indirect.gather @!p1 [hbm4b:s5+s22], $0x40, s6, s22, $0xb8;
	[tilespmem:$0x1F750] =	vst v63  }
0x15c: {  	s6 =	sshra.s32 @!p1 s25, $0x2  }
0x15d: {  	s25 =	simm.s32 @!p1 $0xFCC0;
	s6 =	sadd.s32 @!p1 $0x4E60, s6  }
0x15e: {  	[spmem:s1] =	stream.indirect.scatter.add.f32 @!p1 [tilespmem:s25], [sflag:$0xB], $0x40, s6, s22, $0xb8;
	[tilespmem:$0x1F750] =	vst v63  }
0x15f: {  	_ =	swait.ge [sflag:s14], $0x1800  }
0x160: {  	[sflag:s14] =	ssyncset.done $0x0  }
0x161: {  	[sflag:s14] =	ssyncadd.s32 $0xFFFFE800  }
0x162: {  	_ =	swait.ge [sflag:s15], $0x1800  }
0x163: {  	[sflag:s15] =	ssyncset.done $0x0  }
0x164: {  	s6 =	simm.s32 @p0 $0xA;
	[sflag:s15] =	ssyncadd.s32 $0xFFFFE800  }
0x165: {  	_ =	swait.ge @p0 [sflag:s6], $0x600  }
0x166: {  	[sflag:s6] =	ssyncset.done @p0 $0x0  }
0x167: {  	[sflag:s6] =	ssyncadd.s32 @p0 $0xFFFFFA00;
	s6 =	sadd.s32 @p0 $0x360, s30  }
0x168: {  	[tilespmem:s28], [sflag:$0x4] =	stream.indirect.gather @p0 [hbm4b:s5+s19], $0x40, s6, s19, $0xb8;
	[tilespmem:$0x1F750] =	vst v63  }
0x169: {  	s6 =	sshra.s32 @p0 s29, $0x2  }
0x16a: {  	s20 =	sadd.s32 $0x900, s20;
	s28 =	simm.s32 @p0 $0x114C0;
	s6 =	sadd.s32 @p0 $0x4E60, s6  }
0x16b: {  	[spmem:s1] =	stream.indirect.scatter.add.f32 @p0 [tilespmem:s28], [sflag:$0xC], $0x40, s6, s19, $0xb8;
	[tilespmem:$0x1F750] =	vst v63  }
0x16c: {  	p2 =	sne.s32 s20, $0x13200  }
0x16d: {  	[spmem:s2] =	stream.indirect.scatter.add.f32 @p0 [tilespmem:s17], [sflag:$0xC], $0x10, s6, s19, $0xb8;
	[tilespmem:$0x1F750] =	vst v63  }
.Ltmp9:
0x16e: {  	s6 =	sadd.s32 @!p0 $0x360, s30;
	(pc) =	sbr.rel @!p2 .LBB2_19-.Ltmp9, $4  }
0x16f: {  	[tilespmem:s16], [sflag:$0x4] =	stream.indirect.gather @!p0 [hbm4b:s5+s18], $0x40, s6, s18, $0xb8;
	[tilespmem:$0x1F750] =	vst v63  }
0x170: {  	s6 =	sshra.s32 @!p0 s29, $0x2  }
0x171: {  	s21 =	sadd.s32 $0x1, s21;
	s16 =	simm.s32 @!p0 $0x114C0;
	s6 =	sadd.s32 @!p0 $0x4E60, s6  }
0x172: {  	[spmem:s1] =	stream.indirect.scatter.add.f32 @!p0 [tilespmem:s16], [sflag:$0xC], $0x40, s6, s18, $0xb8;
	[tilespmem:$0x1F750] =	vst v63  }
.LBB2_10:
0x173: {  	p2 =	seq.s32 s20, $0x0  }
.Ltmp10:
0x174: {  	_ = 	snop;
	(pc) =	sbr.rel @p2 .LBB2_13-.Ltmp10, $4  }
0x175: {  	_ = 	snop  }
0x176: {  	_ =	swait.ge [sflag:s3], $0x1800  }
0x177: {  	[sflag:s3] =	ssyncset.done $0x0  }
0x178: {  	[sflag:s3] =	ssyncadd.s32 $0xFFFFE800  }
.Ltmp11:
0x179: {  	(pc) =	sbr.rel @p0 .LBB2_15-.Ltmp11, $4  }
0x17a: {  	s6 =	simm.s32 $0xB  }
0x17b: {  	_ =	swait.ge [sflag:s6], $0x1800  }
0x17c: {  	[sflag:s6] =	ssyncset.done $0x0  }
0x17d: {  	[sflag:s6] =	ssyncadd.s32 $0xFFFFE800  }
0x17e: {  	_ =	swait.ge [sflag:s6], $0x600;
	s4 =	sshra.s32 s20, $0x2  }
.Ltmp12:
0x17f: {  	s30 =	simm.s32 $0xFCC0;
	[sflag:s6] =	ssyncset.done $0x0;
	(pc) =	sbr.rel .LBB2_14-.Ltmp12, $4  }
0x180: {  	s31 =	simm.s32 $0x9CC0;
	s18 =	sadd.s32 $0x180, s4;
	[sflag:s6] =	ssyncadd.s32 $0xFFFFFA00  }
0x181: {  	[tilespmem:s30], [sflag:$0x5] =	stream.indirect.gather [hbm4b:s5+s0], $0x40, s18, s0, $0xb8;
	[tilespmem:$0x1F750] =	vst v63  }
0x182: {  	s25 =	sadd.s32 $0x600, s20;
	s4 =	sadd.s32 $0x4E60, s4;
	s18 =	smul.u32 $0x900, s21  }
0x183: {  	[spmem:s1] =	stream.indirect.scatter.add.f32 [tilespmem:s31], [sflag:$0x7], $0x40, s4, s0, $0xb8;
	[tilespmem:$0x1F750] =	vst v63  }
.LBB2_13:
0x184: {  	s4 =	simm.s32 $0x180;
	s18 =	smul.u32 $0x900, s21  }
.Ltmp13:
0x185: {  	s6 =	simm.s32 $0xFCC0;
	s29 =	sshra.s32 s20, $0x2;
	(pc) =	sbr.rel @p0 .LBB2_16-.Ltmp13, $4  }
0x186: {  	[tilespmem:s6], [sflag:$0x5] =	stream.indirect.gather [hbm4b:s5+s0], $0x40, s4, s0, $0xb8;
	[tilespmem:$0x1F750] =	vst v63  }
0x187: {  	s30 =	simm.s32 $0x9CC0;
	s4 =	sadd.s32 $0x4E60, s29;
	s31 =	sshra.s32 s18, $0x2  }
0x188: {  	[spmem:s1] =	stream.indirect.scatter.add.f32 [tilespmem:s30], [sflag:$0x7], $0x40, s4, s0, $0xb8;
	[tilespmem:$0x1F750] =	vst v63  }
0x189: {  	s25 =	simm.s32 $0x600;
	s4 =	sadd.s32 $0x4E60, s31  }
.LBB2_14:
0x18a: {  	s6 =	simm.s32 $0x12CC0  }
0x18b: {  	[spmem:s2] =	stream.indirect.scatter.add.f32 [tilespmem:s6], [sflag:$0x7], $0x10, s4, s0, $0xb8;
	[tilespmem:$0x1F750] =	vst v63  }
0x18c: {  	_ =	swait.ge [sflag:s7], $0x1800  }
0x18d: {  	p2 =	sne.s32 s20, $0x0;
	[sflag:s7] =	ssyncset.done $0x0  }
0x18e: {  	s19 =	simm.s32 @p2 $0xC;
	[sflag:s7] =	ssyncadd.s32 $0xFFFFE800  }
0x18f: {  	_ =	swait.ge @p2 [sflag:s19], $0x1800  }
0x190: {  	[sflag:s19] =	ssyncset.done @p2 $0x0  }
0x191: {  	[sflag:s19] =	ssyncadd.s32 @p2 $0xFFFFE800;
	s19 =	sshra.s32 @p2 s20, $0x2  }
0x192: {  	s22 =	simm.s32 @p2 $0x60;
	s23 =	simm.s32 @p2 $0x114C0;
	s19 =	sadd.s32 @p2 $0x1E0, s19  }
0x193: {  	[tilespmem:s23], [sflag:$0x6] =	stream.indirect.gather @p2 [hbm4b:s5+s22], $0x40, s19, s22, $0xb8;
	[tilespmem:$0x1F750] =	vst v63  }
0x194: {  	s19 =	sadd.s32 @p2 $0x60, s4;
	s23 =	simm.s32 @p2 $0xB4C0  }
0x195: {  	[spmem:s1] =	stream.indirect.scatter.add.f32 @p2 [tilespmem:s23], [sflag:$0x8], $0x40, s19, s22, $0xb8;
	[tilespmem:$0x1F750] =	vst v63  }
.Ltmp14:
0x196: {  	s29 =	sadd.s32 @p2 $0x780, s20;
	(pc) =	sbr.rel .LBB2_18-.Ltmp14, $4  }
0x197: {  	s19 =	simm.s32 @!p2 $0x60;
	s22 =	simm.s32 @!p2 $0x1E0;
	s23 =	simm.s32 @!p2 $0x114C0  }
0x198: {  	[tilespmem:s23], [sflag:$0x6] =	stream.indirect.gather @!p2 [hbm4b:s5+s19], $0x40, s22, s19, $0xb8;
	[tilespmem:$0x1F750] =	vst v63  }
0x199: {  	s29 =	simm.s32 @!p2 $0x780;
	s22 =	sadd.s32 @!p2 $0x60, s4;
	s23 =	simm.s32 @!p2 $0xB4C0  }
0x19a: {  	[spmem:s1] =	stream.indirect.scatter.add.f32 @!p2 [tilespmem:s23], [sflag:$0x8], $0x40, s22, s19, $0xb8;
	[tilespmem:$0x1F750] =	vst v63  }
.LBB2_16:
.Ltmp15:
0x19b: {  	(pc) =	sbr.rel .LBB2_17-.Ltmp15, $4  }
0x19c: {  	_ = 	snop  }
0x19d: {  	_ =	swait.ge [sflag:s7], $0x1800  }
0x19e: {  	s29 =	simm.s32 $0x780;
	[sflag:s7] =	ssyncset.done $0x0  }
0x19f: {  	s25 =	simm.s32 $0x600;
	s18 =	simm.s32 $0x1E0;
	[sflag:s7] =	ssyncadd.s32 $0xFFFFE800  }
.LBB2_20:
0x1a0: {  	_ =	sfence.sel $0x180000  }
0x1a1: {  	[bflag:$0x0] =	sbarrier.arrive $0xFFFF  }
0x1a2: {  	_ =	strace $0x90000047  }
0x1a3: {  	s0 =	stileid.u32;
	[bflag:$0x2] =	sbarrier.arrive $0xFFFF  }
0x1a4: {  	p0 =	sne.s32 s0, $0x0;
	s0 =	rddreg [dreg:$0x4]  }
0x1a5: {  	s0 =	sadd.s32 @!p0 $0x100000, s0  }
0x1a6: {  	[sflag:s0] =	ssyncadd.tile.s32 @!p0 $0x1;
	_ =	shalt  }
.Lfunc_end2:
_tile_overlayer_lowered:
.L_overlay_start_2:
0x1a7: {  	(tag) =	ssettag $0x2  }
0x1a8: {  	s0 =	rddreg [dreg:$0x0];
	s2 =	stileid.u32  }
0x1a9: {  	s1 =	rddreg [dreg:$0x1];
	p0 =	sne.s32 s2, $0x0  }
0x1aa: {  	s3 =	rddreg [dreg:$0x2];
	[bflag:$0x3] =	sbarrier.arrive $0xFFFF;
	s2 =	simm.s32 @!p0 $0x1C0D  }
0x1ab: {  	[timem:s3], [sflag:s2] =	dma.local @!p0 [hbm:s0], s1  }
0x1ac: {  	s0 =	simm.s32 @!p0 $0xD  }
0x1ad: {  	_ =	swait.ge @!p0 [sflag:s0], s1  }
0x1ae: {  	s1 =	ssub.s32 @!p0 $0x0, s1;
	[sflag:s0] =	ssyncset.done @!p0 $0x0  }
0x1af: {  	[sflag:s0] =	ssyncadd.s32 @!p0 s1  }
0x1b0: {  	[bflag:$0x3] =	sbarrier.arrive $0xFFFF  }
0x1b1: {  	_ =	shalt  }

</sc_bundles>
